<compile_context>
chip_gen: v7x
topology: tpu7x:2x2x1
jax: 0.10.2.dev20260603
libtpu: 0.0.44.dev20260713+nightly
codegen_flags: <defaults>
</compile_context>

<pallas_src>
import functools

import jax
import jax.numpy as jnp
from jax import lax
from jax.experimental import pallas as pl
from jax.experimental.pallas import tpu as pltpu
from jax.experimental.pallas import tpu_sc as plsc

_N = 10000
_E = 320000
_D = 128
_C = 2

_NC, _NS, _L = 2, 16, 16
_NW = _NC * _NS
_NPAD = 10240
_SLICE = _NPAD // _NS
_EPT = _E // _NW
_CHUNK = 2000
_NCH = _EPT // _CHUNK

_MESH = plsc.VectorSubcoreMesh(
    core_axis_name="c", subcore_axis_name="s", num_cores=_NC, num_subcores=_NS
)


def _fill(buf, n, value):
    def body(i, _):
        buf[pl.ds(i * _L, _L)] = jnp.full((_L,), value, jnp.float32)
        return 0
    lax.fori_loop(0, n // _L, body, 0)


def _hist_body(edge_hbm, cnt_hbm, dst_v, ones_v, zb_v, cnt_sh):
    cid = lax.axis_index("c")
    sid = lax.axis_index("s")
    wid = cid * _NS + sid

    _fill(zb_v, _SLICE, 0.0)
    _fill(ones_v, _CHUNK, 1.0)

    pltpu.sync_copy(zb_v, cnt_sh.at[pl.ds(sid * _SLICE, _SLICE)])
    pltpu.sync_copy(edge_hbm.at[pl.ds(_E + wid * _EPT, _EPT)], dst_v)
    plsc.subcore_barrier()

    def scoped(*sems):
        descs = []
        for j in range(_NCH):
            d = pltpu.make_async_copy(
                ones_v,
                cnt_sh.at[dst_v.at[pl.ds(j * _CHUNK, _CHUNK)]],
                sems[j],
            )
            d.start(add=True)
            descs.append(d)
        for d in descs:
            d.wait()

    pl.run_scoped(scoped, *([pltpu.SemaphoreType.DMA(())] * _NCH))

    plsc.subcore_barrier()
    pltpu.sync_copy(
        cnt_sh.at[pl.ds(sid * _SLICE, _SLICE)],
        cnt_hbm.at[pl.ds(cid * _NPAD + sid * _SLICE, _SLICE)],
    )


_SC_PARAMS = pltpu.CompilerParams(needs_layout_passes=False)

_sc_hist = pl.kernel(
    _hist_body,
    out_type=jax.ShapeDtypeStruct((_NC * _NPAD,), jnp.float32),
    mesh=_MESH,
    compiler_params=_SC_PARAMS,
    scratch_types=[
        pltpu.VMEM((_EPT,), jnp.int32),
        pltpu.VMEM((_CHUNK,), jnp.float32),
        pltpu.VMEM((_SLICE,), jnp.float32),
        pltpu.VMEM_SHARED((_NPAD,), jnp.float32),
    ],
)


def _agg_body(edge_hbm, g0_hbm, g1_hbm, p0_hbm, p1_hbm,
              src_v, dst_v, g0_v, g1_v,
              msg0a_v, msg1a_v, msg0b_v, msg1b_v, zb_v,
              acc0_sh, acc1_sh):
    cid = lax.axis_index("c")
    sid = lax.axis_index("s")
    wid = cid * _NS + sid

    _fill(zb_v, _SLICE, 0.0)
    pltpu.sync_copy(
        [edge_hbm.at[pl.ds(wid * _EPT, _EPT)],
         edge_hbm.at[pl.ds(_E + wid * _EPT, _EPT)],
         g0_hbm, g1_hbm],
        [src_v, dst_v, g0_v, g1_v],
    )
    pltpu.sync_copy(zb_v, acc0_sh.at[pl.ds(sid * _SLICE, _SLICE)])
    pltpu.sync_copy(zb_v, acc1_sh.at[pl.ds(sid * _SLICE, _SLICE)])
    plsc.subcore_barrier()

    def gather_chunk(j, m0, m1):
        def grp(k, _):
            for u in range(5):
                off = k * 5 * _L + u * _L
                sidx = src_v[pl.ds(j * _CHUNK + off, _L)]
                m0[pl.ds(off, _L)] = plsc.load_gather(g0_v, [sidx])
                m1[pl.ds(off, _L)] = plsc.load_gather(g1_v, [sidx])
            return 0
        lax.fori_loop(0, _CHUNK // (5 * _L), grp, 0)

    def scoped(*sems):
        bufs = [(msg0a_v, msg1a_v), (msg0b_v, msg1b_v)]
        pending = [None, None]
        for j in range(_NCH):
            p = j % 2
            m0, m1 = bufs[p]
            if pending[p] is not None:
                pending[p][0].wait()
                pending[p][1].wait()
            gather_chunk(j, m0, m1)
            didx = dst_v.at[pl.ds(j * _CHUNK, _CHUNK)]
            d0 = pltpu.make_async_copy(m0, acc0_sh.at[didx], sems[2 * p])
            d1 = pltpu.make_async_copy(m1, acc1_sh.at[didx], sems[2 * p + 1])
            d0.start(add=True)
            d1.start(add=True)
            pending[p] = (d0, d1)
        for p in range(2):
            if pending[p] is not None:
                pending[p][0].wait()
                pending[p][1].wait()

    pl.run_scoped(scoped, *([pltpu.SemaphoreType.DMA(())] * 4))

    plsc.subcore_barrier()
    pltpu.sync_copy(
        [acc0_sh.at[pl.ds(sid * _SLICE, _SLICE)],
         acc1_sh.at[pl.ds(sid * _SLICE, _SLICE)]],
        [p0_hbm.at[pl.ds(cid * _NPAD + sid * _SLICE, _SLICE)],
         p1_hbm.at[pl.ds(cid * _NPAD + sid * _SLICE, _SLICE)]],
    )


_sc_agg = pl.kernel(
    _agg_body,
    out_type=[
        jax.ShapeDtypeStruct((_NC * _NPAD,), jnp.float32),
        jax.ShapeDtypeStruct((_NC * _NPAD,), jnp.float32),
    ],
    mesh=_MESH,
    compiler_params=_SC_PARAMS,
    scratch_types=[
        pltpu.VMEM((_EPT,), jnp.int32),
        pltpu.VMEM((_EPT,), jnp.int32),
        pltpu.VMEM((_NPAD,), jnp.float32),
        pltpu.VMEM((_NPAD,), jnp.float32),
        pltpu.VMEM((_CHUNK,), jnp.float32),
        pltpu.VMEM((_CHUNK,), jnp.float32),
        pltpu.VMEM((_CHUNK,), jnp.float32),
        pltpu.VMEM((_CHUNK,), jnp.float32),
        pltpu.VMEM((_SLICE,), jnp.float32),
        pltpu.VMEM_SHARED((_NPAD,), jnp.float32),
        pltpu.VMEM_SHARED((_NPAD,), jnp.float32),
    ],
)


def _scale_body(h0_ref, h1_ref, cnt_ref, g0_ref, g1_ref, dinv_ref):
    dinv = lax.rsqrt(
        cnt_ref[pl.ds(0, _NPAD)] + cnt_ref[pl.ds(_NPAD, _NPAD)] + 1.0
    )
    dinv_ref[...] = dinv
    g0_ref[...] = h0_ref[...] * dinv
    g1_ref[...] = h1_ref[...] * dinv


_tc_scale = pl.pallas_call(
    _scale_body,
    out_shape=[
        jax.ShapeDtypeStruct((_NPAD,), jnp.float32),
        jax.ShapeDtypeStruct((_NPAD,), jnp.float32),
        jax.ShapeDtypeStruct((_NPAD,), jnp.float32),
    ],
)


def _mm_body(x_ref, w0_ref, w1_ref, h0_ref, h1_ref):
    x = x_ref[...]
    h0 = jnp.sum(x * w0_ref[...][None, :], axis=1)
    h1 = jnp.sum(x * w1_ref[...][None, :], axis=1)
    h0_ref[...] = jnp.pad(h0, (0, _NPAD - _N))
    h1_ref[...] = jnp.pad(h1, (0, _NPAD - _N))


_tc_matmul = pl.pallas_call(
    _mm_body,
    out_shape=[
        jax.ShapeDtypeStruct((_NPAD,), jnp.float32),
        jax.ShapeDtypeStruct((_NPAD,), jnp.float32),
    ],
)


def _comb_body(p0_ref, p1_ref, g0_ref, g1_ref, dinv_ref, b_ref, out_ref):
    dinv = dinv_ref[...]
    s0 = g0_ref[...]
    s1 = g1_ref[...]
    for w in range(_NC):
        s0 = s0 + p0_ref[pl.ds(w * _NPAD, _NPAD)]
        s1 = s1 + p1_ref[pl.ds(w * _NPAD, _NPAD)]
    c0 = s0 * dinv + b_ref[0]
    c1 = s1 * dinv + b_ref[1]
    out = jnp.stack([c0, c1], axis=-1)
    out_ref[...] = out[:_N, :]


_tc_comb = pl.pallas_call(
    _comb_body,
    out_shape=jax.ShapeDtypeStruct((_N, _C), jnp.float32),
    in_specs=[
        pl.BlockSpec(memory_space=pltpu.VMEM),
        pl.BlockSpec(memory_space=pltpu.VMEM),
        pl.BlockSpec(memory_space=pltpu.VMEM),
        pl.BlockSpec(memory_space=pltpu.VMEM),
        pl.BlockSpec(memory_space=pltpu.VMEM),
        pl.BlockSpec(memory_space=pltpu.SMEM),
    ],
)


def kernel(x, edge_index, W, b):
    edge_flat = edge_index.reshape(2 * _E)
    h0, h1 = _tc_matmul(x, W[:, 0], W[:, 1])
    cnt = _sc_hist(edge_flat)
    g0, g1, dinv = _tc_scale(h0, h1, cnt)
    p0, p1 = _sc_agg(edge_flat, g0, g1)
    return _tc_comb(p0, p1, g0, g1, dinv, b)

# --- scband reference (transcript-rebuilt; emitter-appended) ---
"""Pipeline reference for scband-gcnnetwork-89481348645014 (READ-ONLY COPY).

The authoritative reference and input builder live on the scoring server;
editing this copy changes nothing except your own understanding.
"""

import jax, jax.numpy as jnp
import numpy as np

N_NODES = 10000
N_EDGES = 320000
D_FEAT = 128
NUM_CLASSES = 2

def setup_inputs(seed: int = 0) -> dict:
    key = jax.random.key(seed)
    k1, k2, k3 = jax.random.split(key, 3)
    x = jax.random.normal(k1, (N_NODES, D_FEAT), dtype=jnp.float32)
    edge_index = jax.random.randint(k2, (2, N_EDGES), 0, N_NODES, dtype=jnp.int32)
    # Single GCNConv layer (num_layers=1, out_channels=num_classes): weight + bias
    W = jax.random.normal(k3, (D_FEAT, NUM_CLASSES), dtype=jnp.float32) * (1.0 / np.sqrt(D_FEAT))
    b = jnp.zeros((NUM_CLASSES,), dtype=jnp.float32)
    return {"x": x, "edge_index": edge_index, "W": W, "b": b}

def reference(x, edge_index, W, b):
    # PyG GCN with num_layers=1, out_channels=2, node-level task:
    # a single GCNConv: out = D^{-1/2} (A + I) D^{-1/2} (X W) + b
    N = x.shape[0]
    src = edge_index[0]
    dst = edge_index[1]
    # add self loops
    loop = jnp.arange(N, dtype=src.dtype)
    src = jnp.concatenate([src, loop])
    dst = jnp.concatenate([dst, loop])
    ew = jnp.ones(src.shape[0], dtype=x.dtype)
    # symmetric normalization (gcn_norm): deg computed over dst (col) index
    deg = jnp.zeros((N,), dtype=x.dtype).at[dst].add(ew)
    deg_inv_sqrt = jnp.where(deg > 0, jax.lax.rsqrt(jnp.maximum(deg, 1e-12)), 0.0)
    norm = deg_inv_sqrt[src] * ew * deg_inv_sqrt[dst]
    # linear transform, then gather-message-scatter aggregate
    h = x @ W
    msg = h[src] * norm[:, None]
    out = jnp.zeros((N, W.shape[1]), dtype=x.dtype).at[dst].add(msg)
    out = out + b
    return out

if __name__ == "__main__":
    import jax
    _d = setup_inputs()
    print(jax.jit(kernel)(*tuple(_d.values())))

</pallas_src>

<mosaic_0001>
#map = affine_map<(d0, d1) -> (0)>
module attributes {stable_mosaic.version = 14 : i64} {
  func.func @_agg_body(%arg0: i32, %arg1: i32, %arg2: memref<640000xi32, #tpu.memory_space<hbm>>, %arg3: memref<10240xf32, #tpu.memory_space<hbm>>, %arg4: memref<10240xf32, #tpu.memory_space<hbm>>, %arg5: memref<20480xf32, #tpu.memory_space<hbm>>, %arg6: memref<20480xf32, #tpu.memory_space<hbm>>, %arg7: memref<10000xi32, #tpu.memory_space<vmem>>, %arg8: memref<10000xi32, #tpu.memory_space<vmem>>, %arg9: memref<10240xf32, #tpu.memory_space<vmem>>, %arg10: memref<10240xf32, #tpu.memory_space<vmem>>, %arg11: memref<2000xf32, #tpu.memory_space<vmem>>, %arg12: memref<2000xf32, #tpu.memory_space<vmem>>, %arg13: memref<2000xf32, #tpu.memory_space<vmem>>, %arg14: memref<2000xf32, #tpu.memory_space<vmem>>, %arg15: memref<640xf32, #tpu.memory_space<vmem>>, %arg16: memref<10240xf32, #tpu.memory_space<vmem_shared>>, %arg17: memref<10240xf32, #tpu.memory_space<vmem_shared>>) attributes {dimension_semantics = [#tpu.dimension_semantics<core_parallel>, #tpu.dimension_semantics<subcore_parallel>], iteration_bounds = array<i64: 2, 16>, scalar_prefetch = 0 : i64, scratch_operands = 11 : i64, tpu.core_type = #tpu.core_type<sc_vector_subcore>, window_params = [{transform_indices = #map}, {transform_indices = #map}, {transform_indices = #map}, {transform_indices = #map}, {transform_indices = #map}]} {
    %mul3A = arith.constant 16 : i32
    %mul3A_0 = arith.muli %arg0, %mul3A : i32
    %add3A = arith.addi %mul3A_0, %arg1 : i32
    %scan3A = arith.constant 0 : i32
    %scan3A_1 = arith.constant 0 : i32
    %scan3A_2 = arith.constant 40 : i32
    %scan3A_3 = arith.addi %scan3A_1, %scan3A_2 : i32
    %scan3A_4 = arith.constant 1 : i32
    %scan3A_5 = scf.for %scan3A_32 = %scan3A_1 to %scan3A_3 step %scan3A_4 iter_args(%scan3A_33 = %scan3A) -> (i32)  : i32 {
      %broadcast_in_dim3A = arith.constant 0.000000e+00 : f32
      %broadcast_in_dim3A_34 = vector.broadcast %broadcast_in_dim3A : f32 to vector<16xf32>
      %mul3A_35 = arith.constant 16 : i32
      %mul3A_36 = arith.muli %scan3A_32, %mul3A_35 : i32
      %swap3A = arith.index_cast %mul3A_36 : i32 to index
      %swap3A_37 = tpu.vector_load %arg15[%swap3A] {strides = array<i32>} : memref<640xf32, #tpu.memory_space<vmem>>, vector<16xf32>,
      tpu.vector_store %arg15[%swap3A], %broadcast_in_dim3A_34 {strides = array<i32>} : memref<640xf32, #tpu.memory_space<vmem>>, vector<16xf32>,
      %scan3A_38 = arith.constant 0 : i32
      scf.yield %scan3A_38 : i32
    }
    %scan3A_6 = arith.constant 40 : i32
    %mul3A_7 = arith.constant 10000 : i32
    %mul3A_8 = arith.muli %add3A, %mul3A_7 : i32
    %mul3A_9 = arith.constant 10000 : i32
    %mul3A_10 = arith.muli %add3A, %mul3A_9 : i32
    %add3A_11 = arith.constant 320000 : i32
    %add3A_12 = arith.addi %add3A_11, %mul3A_10 : i32
    "tpu.region"() ({
      %run_scoped3A = tpu.sem_alloc : memref<!tpu.dma_semaphore, #tpu.memory_space<semaphore_mem>>
      %dma_start3A = tpu.memref_slice %arg2[%mul3A_8] : memref<640000xi32, #tpu.memory_space<hbm>> -> memref<10000xi32, #tpu.memory_space<hbm>>
      %dma_start3A_32 = tpu.memref_slice %arg2[%mul3A_8] : memref<640000xi32, #tpu.memory_space<hbm>> -> memref<10000xi32, #tpu.memory_space<hbm>>
      tpu.enqueue_dma source(%dma_start3A_32 : memref<10000xi32, #tpu.memory_space<hbm>>) target(%arg7 : memref<10000xi32, #tpu.memory_space<vmem>>) target_semaphore(%run_scoped3A : memref<!tpu.dma_semaphore, #tpu.memory_space<semaphore_mem>>)
      %dma_start3A_33 = tpu.memref_slice %arg2[%add3A_12] : memref<640000xi32, #tpu.memory_space<hbm>> -> memref<10000xi32, #tpu.memory_space<hbm>>
      %dma_start3A_34 = tpu.memref_slice %arg2[%add3A_12] : memref<640000xi32, #tpu.memory_space<hbm>> -> memref<10000xi32, #tpu.memory_space<hbm>>
      tpu.enqueue_dma source(%dma_start3A_34 : memref<10000xi32, #tpu.memory_space<hbm>>) target(%arg8 : memref<10000xi32, #tpu.memory_space<vmem>>) target_semaphore(%run_scoped3A : memref<!tpu.dma_semaphore, #tpu.memory_space<semaphore_mem>>)
      tpu.enqueue_dma source(%arg3 : memref<10240xf32, #tpu.memory_space<hbm>>) target(%arg9 : memref<10240xf32, #tpu.memory_space<vmem>>) target_semaphore(%run_scoped3A : memref<!tpu.dma_semaphore, #tpu.memory_space<semaphore_mem>>)
      tpu.enqueue_dma source(%arg4 : memref<10240xf32, #tpu.memory_space<hbm>>) target(%arg10 : memref<10240xf32, #tpu.memory_space<vmem>>) target_semaphore(%run_scoped3A : memref<!tpu.dma_semaphore, #tpu.memory_space<semaphore_mem>>)
      %dma_wait3A = tpu.memref_slice %arg2[%mul3A_8] : memref<640000xi32, #tpu.memory_space<hbm>> -> memref<10000xi32, #tpu.memory_space<hbm>>
      %dma_wait3A_35 = tpu.memref_slice %arg2[%mul3A_8] : memref<640000xi32, #tpu.memory_space<hbm>> -> memref<10000xi32, #tpu.memory_space<hbm>>
      tpu.wait_dma2 semaphore(%run_scoped3A : memref<!tpu.dma_semaphore, #tpu.memory_space<semaphore_mem>>) src(%dma_wait3A_35 : memref<10000xi32, #tpu.memory_space<hbm>>) dst(%arg7 : memref<10000xi32, #tpu.memory_space<vmem>>)
      %dma_wait3A_36 = tpu.memref_slice %arg2[%add3A_12] : memref<640000xi32, #tpu.memory_space<hbm>> -> memref<10000xi32, #tpu.memory_space<hbm>>
      %dma_wait3A_37 = tpu.memref_slice %arg2[%add3A_12] : memref<640000xi32, #tpu.memory_space<hbm>> -> memref<10000xi32, #tpu.memory_space<hbm>>
      tpu.wait_dma2 semaphore(%run_scoped3A : memref<!tpu.dma_semaphore, #tpu.memory_space<semaphore_mem>>) src(%dma_wait3A_37 : memref<10000xi32, #tpu.memory_space<hbm>>) dst(%arg8 : memref<10000xi32, #tpu.memory_space<vmem>>)
      tpu.wait_dma2 semaphore(%run_scoped3A : memref<!tpu.dma_semaphore, #tpu.memory_space<semaphore_mem>>) src(%arg3 : memref<10240xf32, #tpu.memory_space<hbm>>) dst(%arg9 : memref<10240xf32, #tpu.memory_space<vmem>>)
      tpu.wait_dma2 semaphore(%run_scoped3A : memref<!tpu.dma_semaphore, #tpu.memory_space<semaphore_mem>>) src(%arg4 : memref<10240xf32, #tpu.memory_space<hbm>>) dst(%arg10 : memref<10240xf32, #tpu.memory_space<vmem>>)
      tpu.yield
    }) : () -> ()
    %mul3A_13 = arith.constant 640 : i32
    %mul3A_14 = arith.muli %arg1, %mul3A_13 : i32
    "tpu.region"() ({
      %run_scoped3A = tpu.sem_alloc : memref<!tpu.dma_semaphore, #tpu.memory_space<semaphore_mem>>
      %dma_start3A = tpu.memref_slice %arg16[%mul3A_14] : memref<10240xf32, #tpu.memory_space<vmem_shared>> -> memref<640xf32, #tpu.memory_space<vmem_shared>>
      %dma_start3A_32 = tpu.memref_slice %arg16[%mul3A_14] : memref<10240xf32, #tpu.memory_space<vmem_shared>> -> memref<640xf32, #tpu.memory_space<vmem_shared>>
      tpu.enqueue_dma source(%arg15 : memref<640xf32, #tpu.memory_space<vmem>>) target(%dma_start3A_32 : memref<640xf32, #tpu.memory_space<vmem_shared>>) target_semaphore(%run_scoped3A : memref<!tpu.dma_semaphore, #tpu.memory_space<semaphore_mem>>)
      %dma_wait3A = tpu.memref_slice %arg16[%mul3A_14] : memref<10240xf32, #tpu.memory_space<vmem_shared>> -> memref<640xf32, #tpu.memory_space<vmem_shared>>
      %dma_wait3A_33 = tpu.memref_slice %arg16[%mul3A_14] : memref<10240xf32, #tpu.memory_space<vmem_shared>> -> memref<640xf32, #tpu.memory_space<vmem_shared>>
      tpu.wait_dma2 semaphore(%run_scoped3A : memref<!tpu.dma_semaphore, #tpu.memory_space<semaphore_mem>>) src(%arg15 : memref<640xf32, #tpu.memory_space<vmem>>) dst(%dma_wait3A_33 : memref<640xf32, #tpu.memory_space<vmem_shared>>)
      tpu.yield
    }) : () -> ()
    %mul3A_15 = arith.constant 640 : i32
    %mul3A_16 = arith.muli %arg1, %mul3A_15 : i32
    "tpu.region"() ({
      %run_scoped3A = tpu.sem_alloc : memref<!tpu.dma_semaphore, #tpu.memory_space<semaphore_mem>>
      %dma_start3A = tpu.memref_slice %arg17[%mul3A_16] : memref<10240xf32, #tpu.memory_space<vmem_shared>> -> memref<640xf32, #tpu.memory_space<vmem_shared>>
      %dma_start3A_32 = tpu.memref_slice %arg17[%mul3A_16] : memref<10240xf32, #tpu.memory_space<vmem_shared>> -> memref<640xf32, #tpu.memory_space<vmem_shared>>
      tpu.enqueue_dma source(%arg15 : memref<640xf32, #tpu.memory_space<vmem>>) target(%dma_start3A_32 : memref<640xf32, #tpu.memory_space<vmem_shared>>) target_semaphore(%run_scoped3A : memref<!tpu.dma_semaphore, #tpu.memory_space<semaphore_mem>>)
      %dma_wait3A = tpu.memref_slice %arg17[%mul3A_16] : memref<10240xf32, #tpu.memory_space<vmem_shared>> -> memref<640xf32, #tpu.memory_space<vmem_shared>>
      %dma_wait3A_33 = tpu.memref_slice %arg17[%mul3A_16] : memref<10240xf32, #tpu.memory_space<vmem_shared>> -> memref<640xf32, #tpu.memory_space<vmem_shared>>
      tpu.wait_dma2 semaphore(%run_scoped3A : memref<!tpu.dma_semaphore, #tpu.memory_space<semaphore_mem>>) src(%arg15 : memref<640xf32, #tpu.memory_space<vmem>>) dst(%dma_wait3A_33 : memref<640xf32, #tpu.memory_space<vmem_shared>>)
      tpu.yield
    }) : () -> ()
    %barrier3A = arith.constant 0 : index
    tpu.barrier barrier_id(%barrier3A)
    "tpu.region"() ({
      %run_scoped3A = tpu.sem_alloc : memref<!tpu.dma_semaphore, #tpu.memory_space<semaphore_mem>>
      %run_scoped3A_32 = tpu.sem_alloc : memref<!tpu.dma_semaphore, #tpu.memory_space<semaphore_mem>>
      %run_scoped3A_33 = tpu.sem_alloc : memref<!tpu.dma_semaphore, #tpu.memory_space<semaphore_mem>>
      %run_scoped3A_34 = tpu.sem_alloc : memref<!tpu.dma_semaphore, #tpu.memory_space<semaphore_mem>>
      %scan3A_35 = arith.constant 0 : i32
      %scan3A_36 = arith.constant 0 : i32
      %scan3A_37 = arith.constant 25 : i32
      %scan3A_38 = arith.addi %scan3A_36, %scan3A_37 : i32
      %scan3A_39 = arith.constant 1 : i32
      %scan3A_40 = scf.for %scan3A_148 = %scan3A_36 to %scan3A_38 step %scan3A_39 iter_args(%scan3A_149 = %scan3A_35) -> (i32)  : i32 {
        %mul3A_150 = arith.constant 5 : i32
        %mul3A_151 = arith.muli %scan3A_148, %mul3A_150 : i32
        %mul3A_152 = arith.constant 16 : i32
        %mul3A_153 = arith.muli %mul3A_151, %mul3A_152 : i32
        %add3A_154 = arith.constant 0 : i32
        %add3A_155 = arith.addi %mul3A_153, %add3A_154 : i32
        %add3A_156 = arith.constant 0 : i32
        %add3A_157 = arith.addi %add3A_156, %add3A_155 : i32
        %get3A = arith.index_cast %add3A_157 : i32 to index
        %get3A_158 = tpu.vector_load %arg7[%get3A] {strides = array<i32>} : memref<10000xi32, #tpu.memory_space<vmem>>, vector<16xi32>,
        %gather3A = tpu.vector_load_idx %arg9[%get3A_158] : memref<10240xf32, #tpu.memory_space<vmem>>[vector<16xi32>], vector<16xf32>,
        %swap3A = arith.index_cast %add3A_155 : i32 to index
        %swap3A_159 = tpu.vector_load %arg11[%swap3A] {strides = array<i32>} : memref<2000xf32, #tpu.memory_space<vmem>>, vector<16xf32>,
        tpu.vector_store %arg11[%swap3A], %gather3A {strides = array<i32>} : memref<2000xf32, #tpu.memory_space<vmem>>, vector<16xf32>,
        %gather3A_160 = tpu.vector_load_idx %arg10[%get3A_158] : memref<10240xf32, #tpu.memory_space<vmem>>[vector<16xi32>], vector<16xf32>,
        %swap3A_161 = arith.index_cast %add3A_155 : i32 to index
        %swap3A_162 = tpu.vector_load %arg12[%swap3A_161] {strides = array<i32>} : memref<2000xf32, #tpu.memory_space<vmem>>, vector<16xf32>,
        tpu.vector_store %arg12[%swap3A_161], %gather3A_160 {strides = array<i32>} : memref<2000xf32, #tpu.memory_space<vmem>>, vector<16xf32>,
        %mul3A_163 = arith.constant 5 : i32
        %mul3A_164 = arith.muli %scan3A_148, %mul3A_163 : i32
        %mul3A_165 = arith.constant 16 : i32
        %mul3A_166 = arith.muli %mul3A_164, %mul3A_165 : i32
        %add3A_167 = arith.constant 16 : i32
        %add3A_168 = arith.addi %mul3A_166, %add3A_167 : i32
        %add3A_169 = arith.constant 0 : i32
        %add3A_170 = arith.addi %add3A_169, %add3A_168 : i32
        %get3A_171 = arith.index_cast %add3A_170 : i32 to index
        %get3A_172 = tpu.vector_load %arg7[%get3A_171] {strides = array<i32>} : memref<10000xi32, #tpu.memory_space<vmem>>, vector<16xi32>,
        %gather3A_173 = tpu.vector_load_idx %arg9[%get3A_172] : memref<10240xf32, #tpu.memory_space<vmem>>[vector<16xi32>], vector<16xf32>,
        %swap3A_174 = arith.index_cast %add3A_168 : i32 to index
        %swap3A_175 = tpu.vector_load %arg11[%swap3A_174] {strides = array<i32>} : memref<2000xf32, #tpu.memory_space<vmem>>, vector<16xf32>,
        tpu.vector_store %arg11[%swap3A_174], %gather3A_173 {strides = array<i32>} : memref<2000xf32, #tpu.memory_space<vmem>>, vector<16xf32>,
        %gather3A_176 = tpu.vector_load_idx %arg10[%get3A_172] : memref<10240xf32, #tpu.memory_space<vmem>>[vector<16xi32>], vector<16xf32>,
        %swap3A_177 = arith.index_cast %add3A_168 : i32 to index
        %swap3A_178 = tpu.vector_load %arg12[%swap3A_177] {strides = array<i32>} : memref<2000xf32, #tpu.memory_space<vmem>>, vector<16xf32>,
        tpu.vector_store %arg12[%swap3A_177], %gather3A_176 {strides = array<i32>} : memref<2000xf32, #tpu.memory_space<vmem>>, vector<16xf32>,
        %mul3A_179 = arith.constant 5 : i32
        %mul3A_180 = arith.muli %scan3A_148, %mul3A_179 : i32
        %mul3A_181 = arith.constant 16 : i32
        %mul3A_182 = arith.muli %mul3A_180, %mul3A_181 : i32
        %add3A_183 = arith.constant 32 : i32
        %add3A_184 = arith.addi %mul3A_182, %add3A_183 : i32
        %add3A_185 = arith.constant 0 : i32
        %add3A_186 = arith.addi %add3A_185, %add3A_184 : i32
        %get3A_187 = arith.index_cast %add3A_186 : i32 to index
        %get3A_188 = tpu.vector_load %arg7[%get3A_187] {strides = array<i32>} : memref<10000xi32, #tpu.memory_space<vmem>>, vector<16xi32>,
        %gather3A_189 = tpu.vector_load_idx %arg9[%get3A_188] : memref<10240xf32, #tpu.memory_space<vmem>>[vector<16xi32>], vector<16xf32>,
        %swap3A_190 = arith.index_cast %add3A_184 : i32 to index
        %swap3A_191 = tpu.vector_load %arg11[%swap3A_190] {strides = array<i32>} : memref<2000xf32, #tpu.memory_space<vmem>>, vector<16xf32>,
        tpu.vector_store %arg11[%swap3A_190], %gather3A_189 {strides = array<i32>} : memref<2000xf32, #tpu.memory_space<vmem>>, vector<16xf32>,
        %gather3A_192 = tpu.vector_load_idx %arg10[%get3A_188] : memref<10240xf32, #tpu.memory_space<vmem>>[vector<16xi32>], vector<16xf32>,
        %swap3A_193 = arith.index_cast %add3A_184 : i32 to index
        %swap3A_194 = tpu.vector_load %arg12[%swap3A_193] {strides = array<i32>} : memref<2000xf32, #tpu.memory_space<vmem>>, vector<16xf32>,
        tpu.vector_store %arg12[%swap3A_193], %gather3A_192 {strides = array<i32>} : memref<2000xf32, #tpu.memory_space<vmem>>, vector<16xf32>,
        %mul3A_195 = arith.constant 5 : i32
        %mul3A_196 = arith.muli %scan3A_148, %mul3A_195 : i32
        %mul3A_197 = arith.constant 16 : i32
        %mul3A_198 = arith.muli %mul3A_196, %mul3A_197 : i32
        %add3A_199 = arith.constant 48 : i32
        %add3A_200 = arith.addi %mul3A_198, %add3A_199 : i32
        %add3A_201 = arith.constant 0 : i32
        %add3A_202 = arith.addi %add3A_201, %add3A_200 : i32
        %get3A_203 = arith.index_cast %add3A_202 : i32 to index
        %get3A_204 = tpu.vector_load %arg7[%get3A_203] {strides = array<i32>} : memref<10000xi32, #tpu.memory_space<vmem>>, vector<16xi32>,
        %gather3A_205 = tpu.vector_load_idx %arg9[%get3A_204] : memref<10240xf32, #tpu.memory_space<vmem>>[vector<16xi32>], vector<16xf32>,
        %swap3A_206 = arith.index_cast %add3A_200 : i32 to index
        %swap3A_207 = tpu.vector_load %arg11[%swap3A_206] {strides = array<i32>} : memref<2000xf32, #tpu.memory_space<vmem>>, vector<16xf32>,
        tpu.vector_store %arg11[%swap3A_206], %gather3A_205 {strides = array<i32>} : memref<2000xf32, #tpu.memory_space<vmem>>, vector<16xf32>,
        %gather3A_208 = tpu.vector_load_idx %arg10[%get3A_204] : memref<10240xf32, #tpu.memory_space<vmem>>[vector<16xi32>], vector<16xf32>,
        %swap3A_209 = arith.index_cast %add3A_200 : i32 to index
        %swap3A_210 = tpu.vector_load %arg12[%swap3A_209] {strides = array<i32>} : memref<2000xf32, #tpu.memory_space<vmem>>, vector<16xf32>,
        tpu.vector_store %arg12[%swap3A_209], %gather3A_208 {strides = array<i32>} : memref<2000xf32, #tpu.memory_space<vmem>>, vector<16xf32>,
        %mul3A_211 = arith.constant 5 : i32
        %mul3A_212 = arith.muli %scan3A_148, %mul3A_211 : i32
        %mul3A_213 = arith.constant 16 : i32
        %mul3A_214 = arith.muli %mul3A_212, %mul3A_213 : i32
        %add3A_215 = arith.constant 64 : i32
        %add3A_216 = arith.addi %mul3A_214, %add3A_215 : i32
        %add3A_217 = arith.constant 0 : i32
        %add3A_218 = arith.addi %add3A_217, %add3A_216 : i32
        %get3A_219 = arith.index_cast %add3A_218 : i32 to index
        %get3A_220 = tpu.vector_load %arg7[%get3A_219] {strides = array<i32>} : memref<10000xi32, #tpu.memory_space<vmem>>, vector<16xi32>,
        %gather3A_221 = tpu.vector_load_idx %arg9[%get3A_220] : memref<10240xf32, #tpu.memory_space<vmem>>[vector<16xi32>], vector<16xf32>,
        %swap3A_222 = arith.index_cast %add3A_216 : i32 to index
        %swap3A_223 = tpu.vector_load %arg11[%swap3A_222] {strides = array<i32>} : memref<2000xf32, #tpu.memory_space<vmem>>, vector<16xf32>,
        tpu.vector_store %arg11[%swap3A_222], %gather3A_221 {strides = array<i32>} : memref<2000xf32, #tpu.memory_space<vmem>>, vector<16xf32>,
        %gather3A_224 = tpu.vector_load_idx %arg10[%get3A_220] : memref<10240xf32, #tpu.memory_space<vmem>>[vector<16xi32>], vector<16xf32>,
        %swap3A_225 = arith.index_cast %add3A_216 : i32 to index
        %swap3A_226 = tpu.vector_load %arg12[%swap3A_225] {strides = array<i32>} : memref<2000xf32, #tpu.memory_space<vmem>>, vector<16xf32>,
        tpu.vector_store %arg12[%swap3A_225], %gather3A_224 {strides = array<i32>} : memref<2000xf32, #tpu.memory_space<vmem>>, vector<16xf32>,
        %scan3A_227 = arith.constant 0 : i32
        scf.yield %scan3A_227 : i32
      }
      %scan3A_41 = arith.constant 25 : i32
      %dma_start3A = arith.constant 0 : i32
      %dma_start3A_42 = tpu.memref_slice %arg8[%dma_start3A] : memref<10000xi32, #tpu.memory_space<vmem>> -> memref<2000xi32, #tpu.memory_space<vmem>>
      %dma_start3A_43 = arith.constant 0 : i32
      %dma_start3A_44 = tpu.memref_slice %arg16[%dma_start3A_43] : memref<10240xf32, #tpu.memory_space<vmem_shared>> -> memref<10240xf32, #tpu.memory_space<vmem_shared>>
      tpu.enqueue_indirect_dma source(%arg11 : memref<2000xf32, #tpu.memory_space<vmem>>) target(%dma_start3A_44 : memref<10240xf32, #tpu.memory_space<vmem_shared>>) offsets(%dma_start3A_42 : memref<2000xi32, #tpu.memory_space<vmem>>) semaphore(%run_scoped3A : memref<!tpu.dma_semaphore, #tpu.memory_space<semaphore_mem>>) {add = true}
      %dma_start3A_45 = arith.constant 0 : i32
      %dma_start3A_46 = tpu.memref_slice %arg8[%dma_start3A_45] : memref<10000xi32, #tpu.memory_space<vmem>> -> memref<2000xi32, #tpu.memory_space<vmem>>
      %dma_start3A_47 = arith.constant 0 : i32
      %dma_start3A_48 = tpu.memref_slice %arg17[%dma_start3A_47] : memref<10240xf32, #tpu.memory_space<vmem_shared>> -> memref<10240xf32, #tpu.memory_space<vmem_shared>>
      tpu.enqueue_indirect_dma source(%arg12 : memref<2000xf32, #tpu.memory_space<vmem>>) target(%dma_start3A_48 : memref<10240xf32, #tpu.memory_space<vmem_shared>>) offsets(%dma_start3A_46 : memref<2000xi32, #tpu.memory_space<vmem>>) semaphore(%run_scoped3A_32 : memref<!tpu.dma_semaphore, #tpu.memory_space<semaphore_mem>>) {add = true}
      %scan3A_49 = arith.constant 0 : i32
      %scan3A_50 = arith.constant 0 : i32
      %scan3A_51 = arith.constant 25 : i32
      %scan3A_52 = arith.addi %scan3A_50, %scan3A_51 : i32
      %scan3A_53 = arith.constant 1 : i32
      %scan3A_54 = scf.for %scan3A_148 = %scan3A_50 to %scan3A_52 step %scan3A_53 iter_args(%scan3A_149 = %scan3A_49) -> (i32)  : i32 {
        %mul3A_150 = arith.constant 5 : i32
        %mul3A_151 = arith.muli %scan3A_148, %mul3A_150 : i32
        %mul3A_152 = arith.constant 16 : i32
        %mul3A_153 = arith.muli %mul3A_151, %mul3A_152 : i32
        %add3A_154 = arith.constant 0 : i32
        %add3A_155 = arith.addi %mul3A_153, %add3A_154 : i32
        %add3A_156 = arith.constant 2000 : i32
        %add3A_157 = arith.addi %add3A_156, %add3A_155 : i32
        %get3A = arith.index_cast %add3A_157 : i32 to index
        %get3A_158 = tpu.vector_load %arg7[%get3A] {strides = array<i32>} : memref<10000xi32, #tpu.memory_space<vmem>>, vector<16xi32>,
        %gather3A = tpu.vector_load_idx %arg9[%get3A_158] : memref<10240xf32, #tpu.memory_space<vmem>>[vector<16xi32>], vector<16xf32>,
        %swap3A = arith.index_cast %add3A_155 : i32 to index
        %swap3A_159 = tpu.vector_load %arg13[%swap3A] {strides = array<i32>} : memref<2000xf32, #tpu.memory_space<vmem>>, vector<16xf32>,
        tpu.vector_store %arg13[%swap3A], %gather3A {strides = array<i32>} : memref<2000xf32, #tpu.memory_space<vmem>>, vector<16xf32>,
        %gather3A_160 = tpu.vector_load_idx %arg10[%get3A_158] : memref<10240xf32, #tpu.memory_space<vmem>>[vector<16xi32>], vector<16xf32>,
        %swap3A_161 = arith.index_cast %add3A_155 : i32 to index
        %swap3A_162 = tpu.vector_load %arg14[%swap3A_161] {strides = array<i32>} : memref<2000xf32, #tpu.memory_space<vmem>>, vector<16xf32>,
        tpu.vector_store %arg14[%swap3A_161], %gather3A_160 {strides = array<i32>} : memref<2000xf32, #tpu.memory_space<vmem>>, vector<16xf32>,
        %mul3A_163 = arith.constant 5 : i32
        %mul3A_164 = arith.muli %scan3A_148, %mul3A_163 : i32
        %mul3A_165 = arith.constant 16 : i32
        %mul3A_166 = arith.muli %mul3A_164, %mul3A_165 : i32
        %add3A_167 = arith.constant 16 : i32
        %add3A_168 = arith.addi %mul3A_166, %add3A_167 : i32
        %add3A_169 = arith.constant 2000 : i32
        %add3A_170 = arith.addi %add3A_169, %add3A_168 : i32
        %get3A_171 = arith.index_cast %add3A_170 : i32 to index
        %get3A_172 = tpu.vector_load %arg7[%get3A_171] {strides = array<i32>} : memref<10000xi32, #tpu.memory_space<vmem>>, vector<16xi32>,
        %gather3A_173 = tpu.vector_load_idx %arg9[%get3A_172] : memref<10240xf32, #tpu.memory_space<vmem>>[vector<16xi32>], vector<16xf32>,
        %swap3A_174 = arith.index_cast %add3A_168 : i32 to index
        %swap3A_175 = tpu.vector_load %arg13[%swap3A_174] {strides = array<i32>} : memref<2000xf32, #tpu.memory_space<vmem>>, vector<16xf32>,
        tpu.vector_store %arg13[%swap3A_174], %gather3A_173 {strides = array<i32>} : memref<2000xf32, #tpu.memory_space<vmem>>, vector<16xf32>,
        %gather3A_176 = tpu.vector_load_idx %arg10[%get3A_172] : memref<10240xf32, #tpu.memory_space<vmem>>[vector<16xi32>], vector<16xf32>,
        %swap3A_177 = arith.index_cast %add3A_168 : i32 to index
        %swap3A_178 = tpu.vector_load %arg14[%swap3A_177] {strides = array<i32>} : memref<2000xf32, #tpu.memory_space<vmem>>, vector<16xf32>,
        tpu.vector_store %arg14[%swap3A_177], %gather3A_176 {strides = array<i32>} : memref<2000xf32, #tpu.memory_space<vmem>>, vector<16xf32>,
        %mul3A_179 = arith.constant 5 : i32
        %mul3A_180 = arith.muli %scan3A_148, %mul3A_179 : i32
        %mul3A_181 = arith.constant 16 : i32
        %mul3A_182 = arith.muli %mul3A_180, %mul3A_181 : i32
        %add3A_183 = arith.constant 32 : i32
        %add3A_184 = arith.addi %mul3A_182, %add3A_183 : i32
        %add3A_185 = arith.constant 2000 : i32
        %add3A_186 = arith.addi %add3A_185, %add3A_184 : i32
        %get3A_187 = arith.index_cast %add3A_186 : i32 to index
        %get3A_188 = tpu.vector_load %arg7[%get3A_187] {strides = array<i32>} : memref<10000xi32, #tpu.memory_space<vmem>>, vector<16xi32>,
        %gather3A_189 = tpu.vector_load_idx %arg9[%get3A_188] : memref<10240xf32, #tpu.memory_space<vmem>>[vector<16xi32>], vector<16xf32>,
        %swap3A_190 = arith.index_cast %add3A_184 : i32 to index
        %swap3A_191 = tpu.vector_load %arg13[%swap3A_190] {strides = array<i32>} : memref<2000xf32, #tpu.memory_space<vmem>>, vector<16xf32>,
        tpu.vector_store %arg13[%swap3A_190], %gather3A_189 {strides = array<i32>} : memref<2000xf32, #tpu.memory_space<vmem>>, vector<16xf32>,
        %gather3A_192 = tpu.vector_load_idx %arg10[%get3A_188] : memref<10240xf32, #tpu.memory_space<vmem>>[vector<16xi32>], vector<16xf32>,
        %swap3A_193 = arith.index_cast %add3A_184 : i32 to index
        %swap3A_194 = tpu.vector_load %arg14[%swap3A_193] {strides = array<i32>} : memref<2000xf32, #tpu.memory_space<vmem>>, vector<16xf32>,
        tpu.vector_store %arg14[%swap3A_193], %gather3A_192 {strides = array<i32>} : memref<2000xf32, #tpu.memory_space<vmem>>, vector<16xf32>,
        %mul3A_195 = arith.constant 5 : i32
        %mul3A_196 = arith.muli %scan3A_148, %mul3A_195 : i32
        %mul3A_197 = arith.constant 16 : i32
        %mul3A_198 = arith.muli %mul3A_196, %mul3A_197 : i32
        %add3A_199 = arith.constant 48 : i32
        %add3A_200 = arith.addi %mul3A_198, %add3A_199 : i32
        %add3A_201 = arith.constant 2000 : i32
        %add3A_202 = arith.addi %add3A_201, %add3A_200 : i32
        %get3A_203 = arith.index_cast %add3A_202 : i32 to index
        %get3A_204 = tpu.vector_load %arg7[%get3A_203] {strides = array<i32>} : memref<10000xi32, #tpu.memory_space<vmem>>, vector<16xi32>,
        %gather3A_205 = tpu.vector_load_idx %arg9[%get3A_204] : memref<10240xf32, #tpu.memory_space<vmem>>[vector<16xi32>], vector<16xf32>,
        %swap3A_206 = arith.index_cast %add3A_200 : i32 to index
        %swap3A_207 = tpu.vector_load %arg13[%swap3A_206] {strides = array<i32>} : memref<2000xf32, #tpu.memory_space<vmem>>, vector<16xf32>,
        tpu.vector_store %arg13[%swap3A_206], %gather3A_205 {strides = array<i32>} : memref<2000xf32, #tpu.memory_space<vmem>>, vector<16xf32>,
        %gather3A_208 = tpu.vector_load_idx %arg10[%get3A_204] : memref<10240xf32, #tpu.memory_space<vmem>>[vector<16xi32>], vector<16xf32>,
        %swap3A_209 = arith.index_cast %add3A_200 : i32 to index
        %swap3A_210 = tpu.vector_load %arg14[%swap3A_209] {strides = array<i32>} : memref<2000xf32, #tpu.memory_space<vmem>>, vector<16xf32>,
        tpu.vector_store %arg14[%swap3A_209], %gather3A_208 {strides = array<i32>} : memref<2000xf32, #tpu.memory_space<vmem>>, vector<16xf32>,
        %mul3A_211 = arith.constant 5 : i32
        %mul3A_212 = arith.muli %scan3A_148, %mul3A_211 : i32
        %mul3A_213 = arith.constant 16 : i32
        %mul3A_214 = arith.muli %mul3A_212, %mul3A_213 : i32
        %add3A_215 = arith.constant 64 : i32
        %add3A_216 = arith.addi %mul3A_214, %add3A_215 : i32
        %add3A_217 = arith.constant 2000 : i32
        %add3A_218 = arith.addi %add3A_217, %add3A_216 : i32
        %get3A_219 = arith.index_cast %add3A_218 : i32 to index
        %get3A_220 = tpu.vector_load %arg7[%get3A_219] {strides = array<i32>} : memref<10000xi32, #tpu.memory_space<vmem>>, vector<16xi32>,
        %gather3A_221 = tpu.vector_load_idx %arg9[%get3A_220] : memref<10240xf32, #tpu.memory_space<vmem>>[vector<16xi32>], vector<16xf32>,
        %swap3A_222 = arith.index_cast %add3A_216 : i32 to index
        %swap3A_223 = tpu.vector_load %arg13[%swap3A_222] {strides = array<i32>} : memref<2000xf32, #tpu.memory_space<vmem>>, vector<16xf32>,
        tpu.vector_store %arg13[%swap3A_222], %gather3A_221 {strides = array<i32>} : memref<2000xf32, #tpu.memory_space<vmem>>, vector<16xf32>,
        %gather3A_224 = tpu.vector_load_idx %arg10[%get3A_220] : memref<10240xf32, #tpu.memory_space<vmem>>[vector<16xi32>], vector<16xf32>,
        %swap3A_225 = arith.index_cast %add3A_216 : i32 to index
        %swap3A_226 = tpu.vector_load %arg14[%swap3A_225] {strides = array<i32>} : memref<2000xf32, #tpu.memory_space<vmem>>, vector<16xf32>,
        tpu.vector_store %arg14[%swap3A_225], %gather3A_224 {strides = array<i32>} : memref<2000xf32, #tpu.memory_space<vmem>>, vector<16xf32>,
        %scan3A_227 = arith.constant 0 : i32
        scf.yield %scan3A_227 : i32
      }
      %scan3A_55 = arith.constant 25 : i32
      %dma_start3A_56 = arith.constant 2000 : i32
      %dma_start3A_57 = tpu.memref_slice %arg8[%dma_start3A_56] : memref<10000xi32, #tpu.memory_space<vmem>> -> memref<2000xi32, #tpu.memory_space<vmem>>
      %dma_start3A_58 = arith.constant 0 : i32
      %dma_start3A_59 = tpu.memref_slice %arg16[%dma_start3A_58] : memref<10240xf32, #tpu.memory_space<vmem_shared>> -> memref<10240xf32, #tpu.memory_space<vmem_shared>>
      tpu.enqueue_indirect_dma source(%arg13 : memref<2000xf32, #tpu.memory_space<vmem>>) target(%dma_start3A_59 : memref<10240xf32, #tpu.memory_space<vmem_shared>>) offsets(%dma_start3A_57 : memref<2000xi32, #tpu.memory_space<vmem>>) semaphore(%run_scoped3A_33 : memref<!tpu.dma_semaphore, #tpu.memory_space<semaphore_mem>>) {add = true}
      %dma_start3A_60 = arith.constant 2000 : i32
      %dma_start3A_61 = tpu.memref_slice %arg8[%dma_start3A_60] : memref<10000xi32, #tpu.memory_space<vmem>> -> memref<2000xi32, #tpu.memory_space<vmem>>
      %dma_start3A_62 = arith.constant 0 : i32
      %dma_start3A_63 = tpu.memref_slice %arg17[%dma_start3A_62] : memref<10240xf32, #tpu.memory_space<vmem_shared>> -> memref<10240xf32, #tpu.memory_space<vmem_shared>>
      tpu.enqueue_indirect_dma source(%arg14 : memref<2000xf32, #tpu.memory_space<vmem>>) target(%dma_start3A_63 : memref<10240xf32, #tpu.memory_space<vmem_shared>>) offsets(%dma_start3A_61 : memref<2000xi32, #tpu.memory_space<vmem>>) semaphore(%run_scoped3A_34 : memref<!tpu.dma_semaphore, #tpu.memory_space<semaphore_mem>>) {add = true}
      %dma_wait3A = arith.constant 0 : i32
      %dma_wait3A_64 = tpu.memref_slice %arg8[%dma_wait3A] : memref<10000xi32, #tpu.memory_space<vmem>> -> memref<2000xi32, #tpu.memory_space<vmem>>
      %dma_wait3A_65 = arith.constant 0 : i32
      %dma_wait3A_66 = tpu.memref_slice %arg16[%dma_wait3A_65] : memref<10240xf32, #tpu.memory_space<vmem_shared>> -> memref<10240xf32, #tpu.memory_space<vmem_shared>>
      tpu.wait_indirect_dma semaphore(%run_scoped3A : memref<!tpu.dma_semaphore, #tpu.memory_space<semaphore_mem>>) src(%arg11 : memref<2000xf32, #tpu.memory_space<vmem>>) dst(%dma_wait3A_66 : memref<10240xf32, #tpu.memory_space<vmem_shared>>)
      %dma_wait3A_67 = arith.constant 0 : i32
      %dma_wait3A_68 = tpu.memref_slice %arg8[%dma_wait3A_67] : memref<10000xi32, #tpu.memory_space<vmem>> -> memref<2000xi32, #tpu.memory_space<vmem>>
      %dma_wait3A_69 = arith.constant 0 : i32
      %dma_wait3A_70 = tpu.memref_slice %arg17[%dma_wait3A_69] : memref<10240xf32, #tpu.memory_space<vmem_shared>> -> memref<10240xf32, #tpu.memory_space<vmem_shared>>
      tpu.wait_indirect_dma semaphore(%run_scoped3A_32 : memref<!tpu.dma_semaphore, #tpu.memory_space<semaphore_mem>>) src(%arg12 : memref<2000xf32, #tpu.memory_space<vmem>>) dst(%dma_wait3A_70 : memref<10240xf32, #tpu.memory_space<vmem_shared>>)
      %scan3A_71 = arith.constant 0 : i32
      %scan3A_72 = arith.constant 0 : i32
      %scan3A_73 = arith.constant 25 : i32
      %scan3A_74 = arith.addi %scan3A_72, %scan3A_73 : i32
      %scan3A_75 = arith.constant 1 : i32
      %scan3A_76 = scf.for %scan3A_148 = %scan3A_72 to %scan3A_74 step %scan3A_75 iter_args(%scan3A_149 = %scan3A_71) -> (i32)  : i32 {
        %mul3A_150 = arith.constant 5 : i32
        %mul3A_151 = arith.muli %scan3A_148, %mul3A_150 : i32
        %mul3A_152 = arith.constant 16 : i32
        %mul3A_153 = arith.muli %mul3A_151, %mul3A_152 : i32
        %add3A_154 = arith.constant 0 : i32
        %add3A_155 = arith.addi %mul3A_153, %add3A_154 : i32
        %add3A_156 = arith.constant 4000 : i32
        %add3A_157 = arith.addi %add3A_156, %add3A_155 : i32
        %get3A = arith.index_cast %add3A_157 : i32 to index
        %get3A_158 = tpu.vector_load %arg7[%get3A] {strides = array<i32>} : memref<10000xi32, #tpu.memory_space<vmem>>, vector<16xi32>,
        %gather3A = tpu.vector_load_idx %arg9[%get3A_158] : memref<10240xf32, #tpu.memory_space<vmem>>[vector<16xi32>], vector<16xf32>,
        %swap3A = arith.index_cast %add3A_155 : i32 to index
        %swap3A_159 = tpu.vector_load %arg11[%swap3A] {strides = array<i32>} : memref<2000xf32, #tpu.memory_space<vmem>>, vector<16xf32>,
        tpu.vector_store %arg11[%swap3A], %gather3A {strides = array<i32>} : memref<2000xf32, #tpu.memory_space<vmem>>, vector<16xf32>,
        %gather3A_160 = tpu.vector_load_idx %arg10[%get3A_158] : memref<10240xf32, #tpu.memory_space<vmem>>[vector<16xi32>], vector<16xf32>,
        %swap3A_161 = arith.index_cast %add3A_155 : i32 to index
        %swap3A_162 = tpu.vector_load %arg12[%swap3A_161] {strides = array<i32>} : memref<2000xf32, #tpu.memory_space<vmem>>, vector<16xf32>,
        tpu.vector_store %arg12[%swap3A_161], %gather3A_160 {strides = array<i32>} : memref<2000xf32, #tpu.memory_space<vmem>>, vector<16xf32>,
        %mul3A_163 = arith.constant 5 : i32
        %mul3A_164 = arith.muli %scan3A_148, %mul3A_163 : i32
        %mul3A_165 = arith.constant 16 : i32
        %mul3A_166 = arith.muli %mul3A_164, %mul3A_165 : i32
        %add3A_167 = arith.constant 16 : i32
        %add3A_168 = arith.addi %mul3A_166, %add3A_167 : i32
        %add3A_169 = arith.constant 4000 : i32
        %add3A_170 = arith.addi %add3A_169, %add3A_168 : i32
        %get3A_171 = arith.index_cast %add3A_170 : i32 to index
        %get3A_172 = tpu.vector_load %arg7[%get3A_171] {strides = array<i32>} : memref<10000xi32, #tpu.memory_space<vmem>>, vector<16xi32>,
        %gather3A_173 = tpu.vector_load_idx %arg9[%get3A_172] : memref<10240xf32, #tpu.memory_space<vmem>>[vector<16xi32>], vector<16xf32>,
        %swap3A_174 = arith.index_cast %add3A_168 : i32 to index
        %swap3A_175 = tpu.vector_load %arg11[%swap3A_174] {strides = array<i32>} : memref<2000xf32, #tpu.memory_space<vmem>>, vector<16xf32>,
        tpu.vector_store %arg11[%swap3A_174], %gather3A_173 {strides = array<i32>} : memref<2000xf32, #tpu.memory_space<vmem>>, vector<16xf32>,
        %gather3A_176 = tpu.vector_load_idx %arg10[%get3A_172] : memref<10240xf32, #tpu.memory_space<vmem>>[vector<16xi32>], vector<16xf32>,
        %swap3A_177 = arith.index_cast %add3A_168 : i32 to index
        %swap3A_178 = tpu.vector_load %arg12[%swap3A_177] {strides = array<i32>} : memref<2000xf32, #tpu.memory_space<vmem>>, vector<16xf32>,
        tpu.vector_store %arg12[%swap3A_177], %gather3A_176 {strides = array<i32>} : memref<2000xf32, #tpu.memory_space<vmem>>, vector<16xf32>,
        %mul3A_179 = arith.constant 5 : i32
        %mul3A_180 = arith.muli %scan3A_148, %mul3A_179 : i32
        %mul3A_181 = arith.constant 16 : i32
        %mul3A_182 = arith.muli %mul3A_180, %mul3A_181 : i32
        %add3A_183 = arith.constant 32 : i32
        %add3A_184 = arith.addi %mul3A_182, %add3A_183 : i32
        %add3A_185 = arith.constant 4000 : i32
        %add3A_186 = arith.addi %add3A_185, %add3A_184 : i32
        %get3A_187 = arith.index_cast %add3A_186 : i32 to index
        %get3A_188 = tpu.vector_load %arg7[%get3A_187] {strides = array<i32>} : memref<10000xi32, #tpu.memory_space<vmem>>, vector<16xi32>,
        %gather3A_189 = tpu.vector_load_idx %arg9[%get3A_188] : memref<10240xf32, #tpu.memory_space<vmem>>[vector<16xi32>], vector<16xf32>,
        %swap3A_190 = arith.index_cast %add3A_184 : i32 to index
        %swap3A_191 = tpu.vector_load %arg11[%swap3A_190] {strides = array<i32>} : memref<2000xf32, #tpu.memory_space<vmem>>, vector<16xf32>,
        tpu.vector_store %arg11[%swap3A_190], %gather3A_189 {strides = array<i32>} : memref<2000xf32, #tpu.memory_space<vmem>>, vector<16xf32>,
        %gather3A_192 = tpu.vector_load_idx %arg10[%get3A_188] : memref<10240xf32, #tpu.memory_space<vmem>>[vector<16xi32>], vector<16xf32>,
        %swap3A_193 = arith.index_cast %add3A_184 : i32 to index
        %swap3A_194 = tpu.vector_load %arg12[%swap3A_193] {strides = array<i32>} : memref<2000xf32, #tpu.memory_space<vmem>>, vector<16xf32>,
        tpu.vector_store %arg12[%swap3A_193], %gather3A_192 {strides = array<i32>} : memref<2000xf32, #tpu.memory_space<vmem>>, vector<16xf32>,
        %mul3A_195 = arith.constant 5 : i32
        %mul3A_196 = arith.muli %scan3A_148, %mul3A_195 : i32
        %mul3A_197 = arith.constant 16 : i32
        %mul3A_198 = arith.muli %mul3A_196, %mul3A_197 : i32
        %add3A_199 = arith.constant 48 : i32
        %add3A_200 = arith.addi %mul3A_198, %add3A_199 : i32
        %add3A_201 = arith.constant 4000 : i32
        %add3A_202 = arith.addi %add3A_201, %add3A_200 : i32
        %get3A_203 = arith.index_cast %add3A_202 : i32 to index
        %get3A_204 = tpu.vector_load %arg7[%get3A_203] {strides = array<i32>} : memref<10000xi32, #tpu.memory_space<vmem>>, vector<16xi32>,
        %gather3A_205 = tpu.vector_load_idx %arg9[%get3A_204] : memref<10240xf32, #tpu.memory_space<vmem>>[vector<16xi32>], vector<16xf32>,
        %swap3A_206 = arith.index_cast %add3A_200 : i32 to index
        %swap3A_207 = tpu.vector_load %arg11[%swap3A_206] {strides = array<i32>} : memref<2000xf32, #tpu.memory_space<vmem>>, vector<16xf32>,
        tpu.vector_store %arg11[%swap3A_206], %gather3A_205 {strides = array<i32>} : memref<2000xf32, #tpu.memory_space<vmem>>, vector<16xf32>,
        %gather3A_208 = tpu.vector_load_idx %arg10[%get3A_204] : memref<10240xf32, #tpu.memory_space<vmem>>[vector<16xi32>], vector<16xf32>,
        %swap3A_209 = arith.index_cast %add3A_200 : i32 to index
        %swap3A_210 = tpu.vector_load %arg12[%swap3A_209] {strides = array<i32>} : memref<2000xf32, #tpu.memory_space<vmem>>, vector<16xf32>,
        tpu.vector_store %arg12[%swap3A_209], %gather3A_208 {strides = array<i32>} : memref<2000xf32, #tpu.memory_space<vmem>>, vector<16xf32>,
        %mul3A_211 = arith.constant 5 : i32
        %mul3A_212 = arith.muli %scan3A_148, %mul3A_211 : i32
        %mul3A_213 = arith.constant 16 : i32
        %mul3A_214 = arith.muli %mul3A_212, %mul3A_213 : i32
        %add3A_215 = arith.constant 64 : i32
        %add3A_216 = arith.addi %mul3A_214, %add3A_215 : i32
        %add3A_217 = arith.constant 4000 : i32
        %add3A_218 = arith.addi %add3A_217, %add3A_216 : i32
        %get3A_219 = arith.index_cast %add3A_218 : i32 to index
        %get3A_220 = tpu.vector_load %arg7[%get3A_219] {strides = array<i32>} : memref<10000xi32, #tpu.memory_space<vmem>>, vector<16xi32>,
        %gather3A_221 = tpu.vector_load_idx %arg9[%get3A_220] : memref<10240xf32, #tpu.memory_space<vmem>>[vector<16xi32>], vector<16xf32>,
        %swap3A_222 = arith.index_cast %add3A_216 : i32 to index
        %swap3A_223 = tpu.vector_load %arg11[%swap3A_222] {strides = array<i32>} : memref<2000xf32, #tpu.memory_space<vmem>>, vector<16xf32>,
        tpu.vector_store %arg11[%swap3A_222], %gather3A_221 {strides = array<i32>} : memref<2000xf32, #tpu.memory_space<vmem>>, vector<16xf32>,
        %gather3A_224 = tpu.vector_load_idx %arg10[%get3A_220] : memref<10240xf32, #tpu.memory_space<vmem>>[vector<16xi32>], vector<16xf32>,
        %swap3A_225 = arith.index_cast %add3A_216 : i32 to index
        %swap3A_226 = tpu.vector_load %arg12[%swap3A_225] {strides = array<i32>} : memref<2000xf32, #tpu.memory_space<vmem>>, vector<16xf32>,
        tpu.vector_store %arg12[%swap3A_225], %gather3A_224 {strides = array<i32>} : memref<2000xf32, #tpu.memory_space<vmem>>, vector<16xf32>,
        %scan3A_227 = arith.constant 0 : i32
        scf.yield %scan3A_227 : i32
      }
      %scan3A_77 = arith.constant 25 : i32
      %dma_start3A_78 = arith.constant 4000 : i32
      %dma_start3A_79 = tpu.memref_slice %arg8[%dma_start3A_78] : memref<10000xi32, #tpu.memory_space<vmem>> -> memref<2000xi32, #tpu.memory_space<vmem>>
      %dma_start3A_80 = arith.constant 0 : i32
      %dma_start3A_81 = tpu.memref_slice %arg16[%dma_start3A_80] : memref<10240xf32, #tpu.memory_space<vmem_shared>> -> memref<10240xf32, #tpu.memory_space<vmem_shared>>
      tpu.enqueue_indirect_dma source(%arg11 : memref<2000xf32, #tpu.memory_space<vmem>>) target(%dma_start3A_81 : memref<10240xf32, #tpu.memory_space<vmem_shared>>) offsets(%dma_start3A_79 : memref<2000xi32, #tpu.memory_space<vmem>>) semaphore(%run_scoped3A : memref<!tpu.dma_semaphore, #tpu.memory_space<semaphore_mem>>) {add = true}
      %dma_start3A_82 = arith.constant 4000 : i32
      %dma_start3A_83 = tpu.memref_slice %arg8[%dma_start3A_82] : memref<10000xi32, #tpu.memory_space<vmem>> -> memref<2000xi32, #tpu.memory_space<vmem>>
      %dma_start3A_84 = arith.constant 0 : i32
      %dma_start3A_85 = tpu.memref_slice %arg17[%dma_start3A_84] : memref<10240xf32, #tpu.memory_space<vmem_shared>> -> memref<10240xf32, #tpu.memory_space<vmem_shared>>
      tpu.enqueue_indirect_dma source(%arg12 : memref<2000xf32, #tpu.memory_space<vmem>>) target(%dma_start3A_85 : memref<10240xf32, #tpu.memory_space<vmem_shared>>) offsets(%dma_start3A_83 : memref<2000xi32, #tpu.memory_space<vmem>>) semaphore(%run_scoped3A_32 : memref<!tpu.dma_semaphore, #tpu.memory_space<semaphore_mem>>) {add = true}
      %dma_wait3A_86 = arith.constant 2000 : i32
      %dma_wait3A_87 = tpu.memref_slice %arg8[%dma_wait3A_86] : memref<10000xi32, #tpu.memory_space<vmem>> -> memref<2000xi32, #tpu.memory_space<vmem>>
      %dma_wait3A_88 = arith.constant 0 : i32
      %dma_wait3A_89 = tpu.memref_slice %arg16[%dma_wait3A_88] : memref<10240xf32, #tpu.memory_space<vmem_shared>> -> memref<10240xf32, #tpu.memory_space<vmem_shared>>
      tpu.wait_indirect_dma semaphore(%run_scoped3A_33 : memref<!tpu.dma_semaphore, #tpu.memory_space<semaphore_mem>>) src(%arg13 : memref<2000xf32, #tpu.memory_space<vmem>>) dst(%dma_wait3A_89 : memref<10240xf32, #tpu.memory_space<vmem_shared>>)
      %dma_wait3A_90 = arith.constant 2000 : i32
      %dma_wait3A_91 = tpu.memref_slice %arg8[%dma_wait3A_90] : memref<10000xi32, #tpu.memory_space<vmem>> -> memref<2000xi32, #tpu.memory_space<vmem>>
      %dma_wait3A_92 = arith.constant 0 : i32
      %dma_wait3A_93 = tpu.memref_slice %arg17[%dma_wait3A_92] : memref<10240xf32, #tpu.memory_space<vmem_shared>> -> memref<10240xf32, #tpu.memory_space<vmem_shared>>
      tpu.wait_indirect_dma semaphore(%run_scoped3A_34 : memref<!tpu.dma_semaphore, #tpu.memory_space<semaphore_mem>>) src(%arg14 : memref<2000xf32, #tpu.memory_space<vmem>>) dst(%dma_wait3A_93 : memref<10240xf32, #tpu.memory_space<vmem_shared>>)
      %scan3A_94 = arith.constant 0 : i32
      %scan3A_95 = arith.constant 0 : i32
      %scan3A_96 = arith.constant 25 : i32
      %scan3A_97 = arith.addi %scan3A_95, %scan3A_96 : i32
      %scan3A_98 = arith.constant 1 : i32
      %scan3A_99 = scf.for %scan3A_148 = %scan3A_95 to %scan3A_97 step %scan3A_98 iter_args(%scan3A_149 = %scan3A_94) -> (i32)  : i32 {
        %mul3A_150 = arith.constant 5 : i32
        %mul3A_151 = arith.muli %scan3A_148, %mul3A_150 : i32
        %mul3A_152 = arith.constant 16 : i32
        %mul3A_153 = arith.muli %mul3A_151, %mul3A_152 : i32
        %add3A_154 = arith.constant 0 : i32
        %add3A_155 = arith.addi %mul3A_153, %add3A_154 : i32
        %add3A_156 = arith.constant 6000 : i32
        %add3A_157 = arith.addi %add3A_156, %add3A_155 : i32
        %get3A = arith.index_cast %add3A_157 : i32 to index
        %get3A_158 = tpu.vector_load %arg7[%get3A] {strides = array<i32>} : memref<10000xi32, #tpu.memory_space<vmem>>, vector<16xi32>,
        %gather3A = tpu.vector_load_idx %arg9[%get3A_158] : memref<10240xf32, #tpu.memory_space<vmem>>[vector<16xi32>], vector<16xf32>,
        %swap3A = arith.index_cast %add3A_155 : i32 to index
        %swap3A_159 = tpu.vector_load %arg13[%swap3A] {strides = array<i32>} : memref<2000xf32, #tpu.memory_space<vmem>>, vector<16xf32>,
        tpu.vector_store %arg13[%swap3A], %gather3A {strides = array<i32>} : memref<2000xf32, #tpu.memory_space<vmem>>, vector<16xf32>,
        %gather3A_160 = tpu.vector_load_idx %arg10[%get3A_158] : memref<10240xf32, #tpu.memory_space<vmem>>[vector<16xi32>], vector<16xf32>,
        %swap3A_161 = arith.index_cast %add3A_155 : i32 to index
        %swap3A_162 = tpu.vector_load %arg14[%swap3A_161] {strides = array<i32>} : memref<2000xf32, #tpu.memory_space<vmem>>, vector<16xf32>,
        tpu.vector_store %arg14[%swap3A_161], %gather3A_160 {strides = array<i32>} : memref<2000xf32, #tpu.memory_space<vmem>>, vector<16xf32>,
        %mul3A_163 = arith.constant 5 : i32
        %mul3A_164 = arith.muli %scan3A_148, %mul3A_163 : i32
        %mul3A_165 = arith.constant 16 : i32
        %mul3A_166 = arith.muli %mul3A_164, %mul3A_165 : i32
        %add3A_167 = arith.constant 16 : i32
        %add3A_168 = arith.addi %mul3A_166, %add3A_167 : i32
        %add3A_169 = arith.constant 6000 : i32
        %add3A_170 = arith.addi %add3A_169, %add3A_168 : i32
        %get3A_171 = arith.index_cast %add3A_170 : i32 to index
        %get3A_172 = tpu.vector_load %arg7[%get3A_171] {strides = array<i32>} : memref<10000xi32, #tpu.memory_space<vmem>>, vector<16xi32>,
        %gather3A_173 = tpu.vector_load_idx %arg9[%get3A_172] : memref<10240xf32, #tpu.memory_space<vmem>>[vector<16xi32>], vector<16xf32>,
        %swap3A_174 = arith.index_cast %add3A_168 : i32 to index
        %swap3A_175 = tpu.vector_load %arg13[%swap3A_174] {strides = array<i32>} : memref<2000xf32, #tpu.memory_space<vmem>>, vector<16xf32>,
        tpu.vector_store %arg13[%swap3A_174], %gather3A_173 {strides = array<i32>} : memref<2000xf32, #tpu.memory_space<vmem>>, vector<16xf32>,
        %gather3A_176 = tpu.vector_load_idx %arg10[%get3A_172] : memref<10240xf32, #tpu.memory_space<vmem>>[vector<16xi32>], vector<16xf32>,
        %swap3A_177 = arith.index_cast %add3A_168 : i32 to index
        %swap3A_178 = tpu.vector_load %arg14[%swap3A_177] {strides = array<i32>} : memref<2000xf32, #tpu.memory_space<vmem>>, vector<16xf32>,
        tpu.vector_store %arg14[%swap3A_177], %gather3A_176 {strides = array<i32>} : memref<2000xf32, #tpu.memory_space<vmem>>, vector<16xf32>,
        %mul3A_179 = arith.constant 5 : i32
        %mul3A_180 = arith.muli %scan3A_148, %mul3A_179 : i32
        %mul3A_181 = arith.constant 16 : i32
        %mul3A_182 = arith.muli %mul3A_180, %mul3A_181 : i32
        %add3A_183 = arith.constant 32 : i32
        %add3A_184 = arith.addi %mul3A_182, %add3A_183 : i32
        %add3A_185 = arith.constant 6000 : i32
        %add3A_186 = arith.addi %add3A_185, %add3A_184 : i32
        %get3A_187 = arith.index_cast %add3A_186 : i32 to index
        %get3A_188 = tpu.vector_load %arg7[%get3A_187] {strides = array<i32>} : memref<10000xi32, #tpu.memory_space<vmem>>, vector<16xi32>,
        %gather3A_189 = tpu.vector_load_idx %arg9[%get3A_188] : memref<10240xf32, #tpu.memory_space<vmem>>[vector<16xi32>], vector<16xf32>,
        %swap3A_190 = arith.index_cast %add3A_184 : i32 to index
        %swap3A_191 = tpu.vector_load %arg13[%swap3A_190] {strides = array<i32>} : memref<2000xf32, #tpu.memory_space<vmem>>, vector<16xf32>,
        tpu.vector_store %arg13[%swap3A_190], %gather3A_189 {strides = array<i32>} : memref<2000xf32, #tpu.memory_space<vmem>>, vector<16xf32>,
        %gather3A_192 = tpu.vector_load_idx %arg10[%get3A_188] : memref<10240xf32, #tpu.memory_space<vmem>>[vector<16xi32>], vector<16xf32>,
        %swap3A_193 = arith.index_cast %add3A_184 : i32 to index
        %swap3A_194 = tpu.vector_load %arg14[%swap3A_193] {strides = array<i32>} : memref<2000xf32, #tpu.memory_space<vmem>>, vector<16xf32>,
        tpu.vector_store %arg14[%swap3A_193], %gather3A_192 {strides = array<i32>} : memref<2000xf32, #tpu.memory_space<vmem>>, vector<16xf32>,
        %mul3A_195 = arith.constant 5 : i32
        %mul3A_196 = arith.muli %scan3A_148, %mul3A_195 : i32
        %mul3A_197 = arith.constant 16 : i32
        %mul3A_198 = arith.muli %mul3A_196, %mul3A_197 : i32
        %add3A_199 = arith.constant 48 : i32
        %add3A_200 = arith.addi %mul3A_198, %add3A_199 : i32
        %add3A_201 = arith.constant 6000 : i32
        %add3A_202 = arith.addi %add3A_201, %add3A_200 : i32
        %get3A_203 = arith.index_cast %add3A_202 : i32 to index
        %get3A_204 = tpu.vector_load %arg7[%get3A_203] {strides = array<i32>} : memref<10000xi32, #tpu.memory_space<vmem>>, vector<16xi32>,
        %gather3A_205 = tpu.vector_load_idx %arg9[%get3A_204] : memref<10240xf32, #tpu.memory_space<vmem>>[vector<16xi32>], vector<16xf32>,
        %swap3A_206 = arith.index_cast %add3A_200 : i32 to index
        %swap3A_207 = tpu.vector_load %arg13[%swap3A_206] {strides = array<i32>} : memref<2000xf32, #tpu.memory_space<vmem>>, vector<16xf32>,
        tpu.vector_store %arg13[%swap3A_206], %gather3A_205 {strides = array<i32>} : memref<2000xf32, #tpu.memory_space<vmem>>, vector<16xf32>,
        %gather3A_208 = tpu.vector_load_idx %arg10[%get3A_204] : memref<10240xf32, #tpu.memory_space<vmem>>[vector<16xi32>], vector<16xf32>,
        %swap3A_209 = arith.index_cast %add3A_200 : i32 to index
        %swap3A_210 = tpu.vector_load %arg14[%swap3A_209] {strides = array<i32>} : memref<2000xf32, #tpu.memory_space<vmem>>, vector<16xf32>,
        tpu.vector_store %arg14[%swap3A_209], %gather3A_208 {strides = array<i32>} : memref<2000xf32, #tpu.memory_space<vmem>>, vector<16xf32>,
        %mul3A_211 = arith.constant 5 : i32
        %mul3A_212 = arith.muli %scan3A_148, %mul3A_211 : i32
        %mul3A_213 = arith.constant 16 : i32
        %mul3A_214 = arith.muli %mul3A_212, %mul3A_213 : i32
        %add3A_215 = arith.constant 64 : i32
        %add3A_216 = arith.addi %mul3A_214, %add3A_215 : i32
        %add3A_217 = arith.constant 6000 : i32
        %add3A_218 = arith.addi %add3A_217, %add3A_216 : i32
        %get3A_219 = arith.index_cast %add3A_218 : i32 to index
        %get3A_220 = tpu.vector_load %arg7[%get3A_219] {strides = array<i32>} : memref<10000xi32, #tpu.memory_space<vmem>>, vector<16xi32>,
        %gather3A_221 = tpu.vector_load_idx %arg9[%get3A_220] : memref<10240xf32, #tpu.memory_space<vmem>>[vector<16xi32>], vector<16xf32>,
        %swap3A_222 = arith.index_cast %add3A_216 : i32 to index
        %swap3A_223 = tpu.vector_load %arg13[%swap3A_222] {strides = array<i32>} : memref<2000xf32, #tpu.memory_space<vmem>>, vector<16xf32>,
        tpu.vector_store %arg13[%swap3A_222], %gather3A_221 {strides = array<i32>} : memref<2000xf32, #tpu.memory_space<vmem>>, vector<16xf32>,
        %gather3A_224 = tpu.vector_load_idx %arg10[%get3A_220] : memref<10240xf32, #tpu.memory_space<vmem>>[vector<16xi32>], vector<16xf32>,
        %swap3A_225 = arith.index_cast %add3A_216 : i32 to index
        %swap3A_226 = tpu.vector_load %arg14[%swap3A_225] {strides = array<i32>} : memref<2000xf32, #tpu.memory_space<vmem>>, vector<16xf32>,
        tpu.vector_store %arg14[%swap3A_225], %gather3A_224 {strides = array<i32>} : memref<2000xf32, #tpu.memory_space<vmem>>, vector<16xf32>,
        %scan3A_227 = arith.constant 0 : i32
        scf.yield %scan3A_227 : i32
      }
      %scan3A_100 = arith.constant 25 : i32
      %dma_start3A_101 = arith.constant 6000 : i32
      %dma_start3A_102 = tpu.memref_slice %arg8[%dma_start3A_101] : memref<10000xi32, #tpu.memory_space<vmem>> -> memref<2000xi32, #tpu.memory_space<vmem>>
      %dma_start3A_103 = arith.constant 0 : i32
      %dma_start3A_104 = tpu.memref_slice %arg16[%dma_start3A_103] : memref<10240xf32, #tpu.memory_space<vmem_shared>> -> memref<10240xf32, #tpu.memory_space<vmem_shared>>
      tpu.enqueue_indirect_dma source(%arg13 : memref<2000xf32, #tpu.memory_space<vmem>>) target(%dma_start3A_104 : memref<10240xf32, #tpu.memory_space<vmem_shared>>) offsets(%dma_start3A_102 : memref<2000xi32, #tpu.memory_space<vmem>>) semaphore(%run_scoped3A_33 : memref<!tpu.dma_semaphore, #tpu.memory_space<semaphore_mem>>) {add = true}
      %dma_start3A_105 = arith.constant 6000 : i32
      %dma_start3A_106 = tpu.memref_slice %arg8[%dma_start3A_105] : memref<10000xi32, #tpu.memory_space<vmem>> -> memref<2000xi32, #tpu.memory_space<vmem>>
      %dma_start3A_107 = arith.constant 0 : i32
      %dma_start3A_108 = tpu.memref_slice %arg17[%dma_start3A_107] : memref<10240xf32, #tpu.memory_space<vmem_shared>> -> memref<10240xf32, #tpu.memory_space<vmem_shared>>
      tpu.enqueue_indirect_dma source(%arg14 : memref<2000xf32, #tpu.memory_space<vmem>>) target(%dma_start3A_108 : memref<10240xf32, #tpu.memory_space<vmem_shared>>) offsets(%dma_start3A_106 : memref<2000xi32, #tpu.memory_space<vmem>>) semaphore(%run_scoped3A_34 : memref<!tpu.dma_semaphore, #tpu.memory_space<semaphore_mem>>) {add = true}
      %dma_wait3A_109 = arith.constant 4000 : i32
      %dma_wait3A_110 = tpu.memref_slice %arg8[%dma_wait3A_109] : memref<10000xi32, #tpu.memory_space<vmem>> -> memref<2000xi32, #tpu.memory_space<vmem>>
      %dma_wait3A_111 = arith.constant 0 : i32
      %dma_wait3A_112 = tpu.memref_slice %arg16[%dma_wait3A_111] : memref<10240xf32, #tpu.memory_space<vmem_shared>> -> memref<10240xf32, #tpu.memory_space<vmem_shared>>
      tpu.wait_indirect_dma semaphore(%run_scoped3A : memref<!tpu.dma_semaphore, #tpu.memory_space<semaphore_mem>>) src(%arg11 : memref<2000xf32, #tpu.memory_space<vmem>>) dst(%dma_wait3A_112 : memref<10240xf32, #tpu.memory_space<vmem_shared>>)
      %dma_wait3A_113 = arith.constant 4000 : i32
      %dma_wait3A_114 = tpu.memref_slice %arg8[%dma_wait3A_113] : memref<10000xi32, #tpu.memory_space<vmem>> -> memref<2000xi32, #tpu.memory_space<vmem>>
      %dma_wait3A_115 = arith.constant 0 : i32
      %dma_wait3A_116 = tpu.memref_slice %arg17[%dma_wait3A_115] : memref<10240xf32, #tpu.memory_space<vmem_shared>> -> memref<10240xf32, #tpu.memory_space<vmem_shared>>
      tpu.wait_indirect_dma semaphore(%run_scoped3A_32 : memref<!tpu.dma_semaphore, #tpu.memory_space<semaphore_mem>>) src(%arg12 : memref<2000xf32, #tpu.memory_space<vmem>>) dst(%dma_wait3A_116 : memref<10240xf32, #tpu.memory_space<vmem_shared>>)
      %scan3A_117 = arith.constant 0 : i32
      %scan3A_118 = arith.constant 0 : i32
      %scan3A_119 = arith.constant 25 : i32
      %scan3A_120 = arith.addi %scan3A_118, %scan3A_119 : i32
      %scan3A_121 = arith.constant 1 : i32
      %scan3A_122 = scf.for %scan3A_148 = %scan3A_118 to %scan3A_120 step %scan3A_121 iter_args(%scan3A_149 = %scan3A_117) -> (i32)  : i32 {
        %mul3A_150 = arith.constant 5 : i32
        %mul3A_151 = arith.muli %scan3A_148, %mul3A_150 : i32
        %mul3A_152 = arith.constant 16 : i32
        %mul3A_153 = arith.muli %mul3A_151, %mul3A_152 : i32
        %add3A_154 = arith.constant 0 : i32
        %add3A_155 = arith.addi %mul3A_153, %add3A_154 : i32
        %add3A_156 = arith.constant 8000 : i32
        %add3A_157 = arith.addi %add3A_156, %add3A_155 : i32
        %get3A = arith.index_cast %add3A_157 : i32 to index
        %get3A_158 = tpu.vector_load %arg7[%get3A] {strides = array<i32>} : memref<10000xi32, #tpu.memory_space<vmem>>, vector<16xi32>,
        %gather3A = tpu.vector_load_idx %arg9[%get3A_158] : memref<10240xf32, #tpu.memory_space<vmem>>[vector<16xi32>], vector<16xf32>,
        %swap3A = arith.index_cast %add3A_155 : i32 to index
        %swap3A_159 = tpu.vector_load %arg11[%swap3A] {strides = array<i32>} : memref<2000xf32, #tpu.memory_space<vmem>>, vector<16xf32>,
        tpu.vector_store %arg11[%swap3A], %gather3A {strides = array<i32>} : memref<2000xf32, #tpu.memory_space<vmem>>, vector<16xf32>,
        %gather3A_160 = tpu.vector_load_idx %arg10[%get3A_158] : memref<10240xf32, #tpu.memory_space<vmem>>[vector<16xi32>], vector<16xf32>,
        %swap3A_161 = arith.index_cast %add3A_155 : i32 to index
        %swap3A_162 = tpu.vector_load %arg12[%swap3A_161] {strides = array<i32>} : memref<2000xf32, #tpu.memory_space<vmem>>, vector<16xf32>,
        tpu.vector_store %arg12[%swap3A_161], %gather3A_160 {strides = array<i32>} : memref<2000xf32, #tpu.memory_space<vmem>>, vector<16xf32>,
        %mul3A_163 = arith.constant 5 : i32
        %mul3A_164 = arith.muli %scan3A_148, %mul3A_163 : i32
        %mul3A_165 = arith.constant 16 : i32
        %mul3A_166 = arith.muli %mul3A_164, %mul3A_165 : i32
        %add3A_167 = arith.constant 16 : i32
        %add3A_168 = arith.addi %mul3A_166, %add3A_167 : i32
        %add3A_169 = arith.constant 8000 : i32
        %add3A_170 = arith.addi %add3A_169, %add3A_168 : i32
        %get3A_171 = arith.index_cast %add3A_170 : i32 to index
        %get3A_172 = tpu.vector_load %arg7[%get3A_171] {strides = array<i32>} : memref<10000xi32, #tpu.memory_space<vmem>>, vector<16xi32>,
        %gather3A_173 = tpu.vector_load_idx %arg9[%get3A_172] : memref<10240xf32, #tpu.memory_space<vmem>>[vector<16xi32>], vector<16xf32>,
        %swap3A_174 = arith.index_cast %add3A_168 : i32 to index
        %swap3A_175 = tpu.vector_load %arg11[%swap3A_174] {strides = array<i32>} : memref<2000xf32, #tpu.memory_space<vmem>>, vector<16xf32>,
        tpu.vector_store %arg11[%swap3A_174], %gather3A_173 {strides = array<i32>} : memref<2000xf32, #tpu.memory_space<vmem>>, vector<16xf32>,
        %gather3A_176 = tpu.vector_load_idx %arg10[%get3A_172] : memref<10240xf32, #tpu.memory_space<vmem>>[vector<16xi32>], vector<16xf32>,
        %swap3A_177 = arith.index_cast %add3A_168 : i32 to index
        %swap3A_178 = tpu.vector_load %arg12[%swap3A_177] {strides = array<i32>} : memref<2000xf32, #tpu.memory_space<vmem>>, vector<16xf32>,
        tpu.vector_store %arg12[%swap3A_177], %gather3A_176 {strides = array<i32>} : memref<2000xf32, #tpu.memory_space<vmem>>, vector<16xf32>,
        %mul3A_179 = arith.constant 5 : i32
        %mul3A_180 = arith.muli %scan3A_148, %mul3A_179 : i32
        %mul3A_181 = arith.constant 16 : i32
        %mul3A_182 = arith.muli %mul3A_180, %mul3A_181 : i32
        %add3A_183 = arith.constant 32 : i32
        %add3A_184 = arith.addi %mul3A_182, %add3A_183 : i32
        %add3A_185 = arith.constant 8000 : i32
        %add3A_186 = arith.addi %add3A_185, %add3A_184 : i32
        %get3A_187 = arith.index_cast %add3A_186 : i32 to index
        %get3A_188 = tpu.vector_load %arg7[%get3A_187] {strides = array<i32>} : memref<10000xi32, #tpu.memory_space<vmem>>, vector<16xi32>,
        %gather3A_189 = tpu.vector_load_idx %arg9[%get3A_188] : memref<10240xf32, #tpu.memory_space<vmem>>[vector<16xi32>], vector<16xf32>,
        %swap3A_190 = arith.index_cast %add3A_184 : i32 to index
        %swap3A_191 = tpu.vector_load %arg11[%swap3A_190] {strides = array<i32>} : memref<2000xf32, #tpu.memory_space<vmem>>, vector<16xf32>,
        tpu.vector_store %arg11[%swap3A_190], %gather3A_189 {strides = array<i32>} : memref<2000xf32, #tpu.memory_space<vmem>>, vector<16xf32>,
        %gather3A_192 = tpu.vector_load_idx %arg10[%get3A_188] : memref<10240xf32, #tpu.memory_space<vmem>>[vector<16xi32>], vector<16xf32>,
        %swap3A_193 = arith.index_cast %add3A_184 : i32 to index
        %swap3A_194 = tpu.vector_load %arg12[%swap3A_193] {strides = array<i32>} : memref<2000xf32, #tpu.memory_space<vmem>>, vector<16xf32>,
        tpu.vector_store %arg12[%swap3A_193], %gather3A_192 {strides = array<i32>} : memref<2000xf32, #tpu.memory_space<vmem>>, vector<16xf32>,
        %mul3A_195 = arith.constant 5 : i32
        %mul3A_196 = arith.muli %scan3A_148, %mul3A_195 : i32
        %mul3A_197 = arith.constant 16 : i32
        %mul3A_198 = arith.muli %mul3A_196, %mul3A_197 : i32
        %add3A_199 = arith.constant 48 : i32
        %add3A_200 = arith.addi %mul3A_198, %add3A_199 : i32
        %add3A_201 = arith.constant 8000 : i32
        %add3A_202 = arith.addi %add3A_201, %add3A_200 : i32
        %get3A_203 = arith.index_cast %add3A_202 : i32 to index
        %get3A_204 = tpu.vector_load %arg7[%get3A_203] {strides = array<i32>} : memref<10000xi32, #tpu.memory_space<vmem>>, vector<16xi32>,
        %gather3A_205 = tpu.vector_load_idx %arg9[%get3A_204] : memref<10240xf32, #tpu.memory_space<vmem>>[vector<16xi32>], vector<16xf32>,
        %swap3A_206 = arith.index_cast %add3A_200 : i32 to index
        %swap3A_207 = tpu.vector_load %arg11[%swap3A_206] {strides = array<i32>} : memref<2000xf32, #tpu.memory_space<vmem>>, vector<16xf32>,
        tpu.vector_store %arg11[%swap3A_206], %gather3A_205 {strides = array<i32>} : memref<2000xf32, #tpu.memory_space<vmem>>, vector<16xf32>,
        %gather3A_208 = tpu.vector_load_idx %arg10[%get3A_204] : memref<10240xf32, #tpu.memory_space<vmem>>[vector<16xi32>], vector<16xf32>,
        %swap3A_209 = arith.index_cast %add3A_200 : i32 to index
        %swap3A_210 = tpu.vector_load %arg12[%swap3A_209] {strides = array<i32>} : memref<2000xf32, #tpu.memory_space<vmem>>, vector<16xf32>,
        tpu.vector_store %arg12[%swap3A_209], %gather3A_208 {strides = array<i32>} : memref<2000xf32, #tpu.memory_space<vmem>>, vector<16xf32>,
        %mul3A_211 = arith.constant 5 : i32
        %mul3A_212 = arith.muli %scan3A_148, %mul3A_211 : i32
        %mul3A_213 = arith.constant 16 : i32
        %mul3A_214 = arith.muli %mul3A_212, %mul3A_213 : i32
        %add3A_215 = arith.constant 64 : i32
        %add3A_216 = arith.addi %mul3A_214, %add3A_215 : i32
        %add3A_217 = arith.constant 8000 : i32
        %add3A_218 = arith.addi %add3A_217, %add3A_216 : i32
        %get3A_219 = arith.index_cast %add3A_218 : i32 to index
        %get3A_220 = tpu.vector_load %arg7[%get3A_219] {strides = array<i32>} : memref<10000xi32, #tpu.memory_space<vmem>>, vector<16xi32>,
        %gather3A_221 = tpu.vector_load_idx %arg9[%get3A_220] : memref<10240xf32, #tpu.memory_space<vmem>>[vector<16xi32>], vector<16xf32>,
        %swap3A_222 = arith.index_cast %add3A_216 : i32 to index
        %swap3A_223 = tpu.vector_load %arg11[%swap3A_222] {strides = array<i32>} : memref<2000xf32, #tpu.memory_space<vmem>>, vector<16xf32>,
        tpu.vector_store %arg11[%swap3A_222], %gather3A_221 {strides = array<i32>} : memref<2000xf32, #tpu.memory_space<vmem>>, vector<16xf32>,
        %gather3A_224 = tpu.vector_load_idx %arg10[%get3A_220] : memref<10240xf32, #tpu.memory_space<vmem>>[vector<16xi32>], vector<16xf32>,
        %swap3A_225 = arith.index_cast %add3A_216 : i32 to index
        %swap3A_226 = tpu.vector_load %arg12[%swap3A_225] {strides = array<i32>} : memref<2000xf32, #tpu.memory_space<vmem>>, vector<16xf32>,
        tpu.vector_store %arg12[%swap3A_225], %gather3A_224 {strides = array<i32>} : memref<2000xf32, #tpu.memory_space<vmem>>, vector<16xf32>,
        %scan3A_227 = arith.constant 0 : i32
        scf.yield %scan3A_227 : i32
      }
      %scan3A_123 = arith.constant 25 : i32
      %dma_start3A_124 = arith.constant 8000 : i32
      %dma_start3A_125 = tpu.memref_slice %arg8[%dma_start3A_124] : memref<10000xi32, #tpu.memory_space<vmem>> -> memref<2000xi32, #tpu.memory_space<vmem>>
      %dma_start3A_126 = arith.constant 0 : i32
      %dma_start3A_127 = tpu.memref_slice %arg16[%dma_start3A_126] : memref<10240xf32, #tpu.memory_space<vmem_shared>> -> memref<10240xf32, #tpu.memory_space<vmem_shared>>
      tpu.enqueue_indirect_dma source(%arg11 : memref<2000xf32, #tpu.memory_space<vmem>>) target(%dma_start3A_127 : memref<10240xf32, #tpu.memory_space<vmem_shared>>) offsets(%dma_start3A_125 : memref<2000xi32, #tpu.memory_space<vmem>>) semaphore(%run_scoped3A : memref<!tpu.dma_semaphore, #tpu.memory_space<semaphore_mem>>) {add = true}
      %dma_start3A_128 = arith.constant 8000 : i32
      %dma_start3A_129 = tpu.memref_slice %arg8[%dma_start3A_128] : memref<10000xi32, #tpu.memory_space<vmem>> -> memref<2000xi32, #tpu.memory_space<vmem>>
      %dma_start3A_130 = arith.constant 0 : i32
      %dma_start3A_131 = tpu.memref_slice %arg17[%dma_start3A_130] : memref<10240xf32, #tpu.memory_space<vmem_shared>> -> memref<10240xf32, #tpu.memory_space<vmem_shared>>
      tpu.enqueue_indirect_dma source(%arg12 : memref<2000xf32, #tpu.memory_space<vmem>>) target(%dma_start3A_131 : memref<10240xf32, #tpu.memory_space<vmem_shared>>) offsets(%dma_start3A_129 : memref<2000xi32, #tpu.memory_space<vmem>>) semaphore(%run_scoped3A_32 : memref<!tpu.dma_semaphore, #tpu.memory_space<semaphore_mem>>) {add = true}
      %dma_wait3A_132 = arith.constant 8000 : i32
      %dma_wait3A_133 = tpu.memref_slice %arg8[%dma_wait3A_132] : memref<10000xi32, #tpu.memory_space<vmem>> -> memref<2000xi32, #tpu.memory_space<vmem>>
      %dma_wait3A_134 = arith.constant 0 : i32
      %dma_wait3A_135 = tpu.memref_slice %arg16[%dma_wait3A_134] : memref<10240xf32, #tpu.memory_space<vmem_shared>> -> memref<10240xf32, #tpu.memory_space<vmem_shared>>
      tpu.wait_indirect_dma semaphore(%run_scoped3A : memref<!tpu.dma_semaphore, #tpu.memory_space<semaphore_mem>>) src(%arg11 : memref<2000xf32, #tpu.memory_space<vmem>>) dst(%dma_wait3A_135 : memref<10240xf32, #tpu.memory_space<vmem_shared>>)
      %dma_wait3A_136 = arith.constant 8000 : i32
      %dma_wait3A_137 = tpu.memref_slice %arg8[%dma_wait3A_136] : memref<10000xi32, #tpu.memory_space<vmem>> -> memref<2000xi32, #tpu.memory_space<vmem>>
      %dma_wait3A_138 = arith.constant 0 : i32
      %dma_wait3A_139 = tpu.memref_slice %arg17[%dma_wait3A_138] : memref<10240xf32, #tpu.memory_space<vmem_shared>> -> memref<10240xf32, #tpu.memory_space<vmem_shared>>
      tpu.wait_indirect_dma semaphore(%run_scoped3A_32 : memref<!tpu.dma_semaphore, #tpu.memory_space<semaphore_mem>>) src(%arg12 : memref<2000xf32, #tpu.memory_space<vmem>>) dst(%dma_wait3A_139 : memref<10240xf32, #tpu.memory_space<vmem_shared>>)
      %dma_wait3A_140 = arith.constant 6000 : i32
      %dma_wait3A_141 = tpu.memref_slice %arg8[%dma_wait3A_140] : memref<10000xi32, #tpu.memory_space<vmem>> -> memref<2000xi32, #tpu.memory_space<vmem>>
      %dma_wait3A_142 = arith.constant 0 : i32
      %dma_wait3A_143 = tpu.memref_slice %arg16[%dma_wait3A_142] : memref<10240xf32, #tpu.memory_space<vmem_shared>> -> memref<10240xf32, #tpu.memory_space<vmem_shared>>
      tpu.wait_indirect_dma semaphore(%run_scoped3A_33 : memref<!tpu.dma_semaphore, #tpu.memory_space<semaphore_mem>>) src(%arg13 : memref<2000xf32, #tpu.memory_space<vmem>>) dst(%dma_wait3A_143 : memref<10240xf32, #tpu.memory_space<vmem_shared>>)
      %dma_wait3A_144 = arith.constant 6000 : i32
      %dma_wait3A_145 = tpu.memref_slice %arg8[%dma_wait3A_144] : memref<10000xi32, #tpu.memory_space<vmem>> -> memref<2000xi32, #tpu.memory_space<vmem>>
      %dma_wait3A_146 = arith.constant 0 : i32
      %dma_wait3A_147 = tpu.memref_slice %arg17[%dma_wait3A_146] : memref<10240xf32, #tpu.memory_space<vmem_shared>> -> memref<10240xf32, #tpu.memory_space<vmem_shared>>
      tpu.wait_indirect_dma semaphore(%run_scoped3A_34 : memref<!tpu.dma_semaphore, #tpu.memory_space<semaphore_mem>>) src(%arg14 : memref<2000xf32, #tpu.memory_space<vmem>>) dst(%dma_wait3A_147 : memref<10240xf32, #tpu.memory_space<vmem_shared>>)
      tpu.yield
    }) : () -> ()
    %barrier3A_17 = arith.constant 0 : index
    tpu.barrier barrier_id(%barrier3A_17)
    %mul3A_18 = arith.constant 640 : i32
    %mul3A_19 = arith.muli %arg1, %mul3A_18 : i32
    %mul3A_20 = arith.constant 640 : i32
    %mul3A_21 = arith.muli %arg1, %mul3A_20 : i32
    %mul3A_22 = arith.constant 10240 : i32
    %mul3A_23 = arith.muli %arg0, %mul3A_22 : i32
    %mul3A_24 = arith.constant 640 : i32
    %mul3A_25 = arith.muli %arg1, %mul3A_24 : i32
    %add3A_26 = arith.addi %mul3A_23, %mul3A_25 : i32
    %mul3A_27 = arith.constant 10240 : i32
    %mul3A_28 = arith.muli %arg0, %mul3A_27 : i32
    %mul3A_29 = arith.constant 640 : i32
    %mul3A_30 = arith.muli %arg1, %mul3A_29 : i32
    %add3A_31 = arith.addi %mul3A_28, %mul3A_30 : i32
    "tpu.region"() ({
      %run_scoped3A = tpu.sem_alloc : memref<!tpu.dma_semaphore, #tpu.memory_space<semaphore_mem>>
      %dma_start3A = tpu.memref_slice %arg5[%add3A_26] : memref<20480xf32, #tpu.memory_space<hbm>> -> memref<640xf32, #tpu.memory_space<hbm>>
      %dma_start3A_32 = tpu.memref_slice %arg16[%mul3A_19] : memref<10240xf32, #tpu.memory_space<vmem_shared>> -> memref<640xf32, #tpu.memory_space<vmem_shared>>
      tpu.enqueue_dma source(%dma_start3A_32 : memref<640xf32, #tpu.memory_space<vmem_shared>>) target(%dma_start3A : memref<640xf32, #tpu.memory_space<hbm>>) target_semaphore(%run_scoped3A : memref<!tpu.dma_semaphore, #tpu.memory_space<semaphore_mem>>)
      %dma_start3A_33 = tpu.memref_slice %arg6[%add3A_31] : memref<20480xf32, #tpu.memory_space<hbm>> -> memref<640xf32, #tpu.memory_space<hbm>>
      %dma_start3A_34 = tpu.memref_slice %arg17[%mul3A_21] : memref<10240xf32, #tpu.memory_space<vmem_shared>> -> memref<640xf32, #tpu.memory_space<vmem_shared>>
      tpu.enqueue_dma source(%dma_start3A_34 : memref<640xf32, #tpu.memory_space<vmem_shared>>) target(%dma_start3A_33 : memref<640xf32, #tpu.memory_space<hbm>>) target_semaphore(%run_scoped3A : memref<!tpu.dma_semaphore, #tpu.memory_space<semaphore_mem>>)
      %dma_wait3A = tpu.memref_slice %arg5[%add3A_26] : memref<20480xf32, #tpu.memory_space<hbm>> -> memref<640xf32, #tpu.memory_space<hbm>>
      %dma_wait3A_35 = tpu.memref_slice %arg16[%mul3A_19] : memref<10240xf32, #tpu.memory_space<vmem_shared>> -> memref<640xf32, #tpu.memory_space<vmem_shared>>
      tpu.wait_dma2 semaphore(%run_scoped3A : memref<!tpu.dma_semaphore, #tpu.memory_space<semaphore_mem>>) src(%dma_wait3A_35 : memref<640xf32, #tpu.memory_space<vmem_shared>>) dst(%dma_wait3A : memref<640xf32, #tpu.memory_space<hbm>>)
      %dma_wait3A_36 = tpu.memref_slice %arg6[%add3A_31] : memref<20480xf32, #tpu.memory_space<hbm>> -> memref<640xf32, #tpu.memory_space<hbm>>
      %dma_wait3A_37 = tpu.memref_slice %arg17[%mul3A_21] : memref<10240xf32, #tpu.memory_space<vmem_shared>> -> memref<640xf32, #tpu.memory_space<vmem_shared>>
      tpu.wait_dma2 semaphore(%run_scoped3A : memref<!tpu.dma_semaphore, #tpu.memory_space<semaphore_mem>>) src(%dma_wait3A_37 : memref<640xf32, #tpu.memory_space<vmem_shared>>) dst(%dma_wait3A_36 : memref<640xf32, #tpu.memory_space<hbm>>)
      tpu.yield
    }) : () -> ()
    return
  }
}

#map = affine_map<(d0, d1) -> (0)>
module attributes {stable_mosaic.version = 14 : i64} {
  func.func @_hist_body(%arg0: i32, %arg1: i32, %arg2: memref<640000xi32, #tpu.memory_space<hbm>>, %arg3: memref<20480xf32, #tpu.memory_space<hbm>>, %arg4: memref<10000xi32, #tpu.memory_space<vmem>>, %arg5: memref<2000xf32, #tpu.memory_space<vmem>>, %arg6: memref<640xf32, #tpu.memory_space<vmem>>, %arg7: memref<10240xf32, #tpu.memory_space<vmem_shared>>) attributes {dimension_semantics = [#tpu.dimension_semantics<core_parallel>, #tpu.dimension_semantics<subcore_parallel>], iteration_bounds = array<i64: 2, 16>, scalar_prefetch = 0 : i64, scratch_operands = 4 : i64, tpu.core_type = #tpu.core_type<sc_vector_subcore>, window_params = [{transform_indices = #map}, {transform_indices = #map}]} {
    %mul3A = arith.constant 16 : i32
    %mul3A_0 = arith.muli %arg0, %mul3A : i32
    %add3A = arith.addi %mul3A_0, %arg1 : i32
    %scan3A = arith.constant 0 : i32
    %scan3A_1 = arith.constant 0 : i32
    %scan3A_2 = arith.constant 40 : i32
    %scan3A_3 = arith.addi %scan3A_1, %scan3A_2 : i32
    %scan3A_4 = arith.constant 1 : i32
    %scan3A_5 = scf.for %scan3A_28 = %scan3A_1 to %scan3A_3 step %scan3A_4 iter_args(%scan3A_29 = %scan3A) -> (i32)  : i32 {
      %broadcast_in_dim3A = arith.constant 0.000000e+00 : f32
      %broadcast_in_dim3A_30 = vector.broadcast %broadcast_in_dim3A : f32 to vector<16xf32>
      %mul3A_31 = arith.constant 16 : i32
      %mul3A_32 = arith.muli %scan3A_28, %mul3A_31 : i32
      %swap3A = arith.index_cast %mul3A_32 : i32 to index
      %swap3A_33 = tpu.vector_load %arg6[%swap3A] {strides = array<i32>} : memref<640xf32, #tpu.memory_space<vmem>>, vector<16xf32>,
      tpu.vector_store %arg6[%swap3A], %broadcast_in_dim3A_30 {strides = array<i32>} : memref<640xf32, #tpu.memory_space<vmem>>, vector<16xf32>,
      %scan3A_34 = arith.constant 0 : i32
      scf.yield %scan3A_34 : i32
    }
    %scan3A_6 = arith.constant 40 : i32
    %scan3A_7 = arith.constant 0 : i32
    %scan3A_8 = arith.constant 0 : i32
    %scan3A_9 = arith.constant 125 : i32
    %scan3A_10 = arith.addi %scan3A_8, %scan3A_9 : i32
    %scan3A_11 = arith.constant 1 : i32
    %scan3A_12 = scf.for %scan3A_28 = %scan3A_8 to %scan3A_10 step %scan3A_11 iter_args(%scan3A_29 = %scan3A_7) -> (i32)  : i32 {
      %broadcast_in_dim3A = arith.constant 1.000000e+00 : f32
      %broadcast_in_dim3A_30 = vector.broadcast %broadcast_in_dim3A : f32 to vector<16xf32>
      %mul3A_31 = arith.constant 16 : i32
      %mul3A_32 = arith.muli %scan3A_28, %mul3A_31 : i32
      %swap3A = arith.index_cast %mul3A_32 : i32 to index
      %swap3A_33 = tpu.vector_load %arg5[%swap3A] {strides = array<i32>} : memref<2000xf32, #tpu.memory_space<vmem>>, vector<16xf32>,
      tpu.vector_store %arg5[%swap3A], %broadcast_in_dim3A_30 {strides = array<i32>} : memref<2000xf32, #tpu.memory_space<vmem>>, vector<16xf32>,
      %scan3A_34 = arith.constant 0 : i32
      scf.yield %scan3A_34 : i32
    }
    %scan3A_13 = arith.constant 125 : i32
    %mul3A_14 = arith.constant 640 : i32
    %mul3A_15 = arith.muli %arg1, %mul3A_14 : i32
    "tpu.region"() ({
      %run_scoped3A = tpu.sem_alloc : memref<!tpu.dma_semaphore, #tpu.memory_space<semaphore_mem>>
      %dma_start3A = tpu.memref_slice %arg7[%mul3A_15] : memref<10240xf32, #tpu.memory_space<vmem_shared>> -> memref<640xf32, #tpu.memory_space<vmem_shared>>
      %dma_start3A_28 = tpu.memref_slice %arg7[%mul3A_15] : memref<10240xf32, #tpu.memory_space<vmem_shared>> -> memref<640xf32, #tpu.memory_space<vmem_shared>>
      tpu.enqueue_dma source(%arg6 : memref<640xf32, #tpu.memory_space<vmem>>) target(%dma_start3A_28 : memref<640xf32, #tpu.memory_space<vmem_shared>>) target_semaphore(%run_scoped3A : memref<!tpu.dma_semaphore, #tpu.memory_space<semaphore_mem>>)
      %dma_wait3A = tpu.memref_slice %arg7[%mul3A_15] : memref<10240xf32, #tpu.memory_space<vmem_shared>> -> memref<640xf32, #tpu.memory_space<vmem_shared>>
      %dma_wait3A_29 = tpu.memref_slice %arg7[%mul3A_15] : memref<10240xf32, #tpu.memory_space<vmem_shared>> -> memref<640xf32, #tpu.memory_space<vmem_shared>>
      tpu.wait_dma2 semaphore(%run_scoped3A : memref<!tpu.dma_semaphore, #tpu.memory_space<semaphore_mem>>) src(%arg6 : memref<640xf32, #tpu.memory_space<vmem>>) dst(%dma_wait3A_29 : memref<640xf32, #tpu.memory_space<vmem_shared>>)
      tpu.yield
    }) : () -> ()
    %mul3A_16 = arith.constant 10000 : i32
    %mul3A_17 = arith.muli %add3A, %mul3A_16 : i32
    %add3A_18 = arith.constant 320000 : i32
    %add3A_19 = arith.addi %add3A_18, %mul3A_17 : i32
    "tpu.region"() ({
      %run_scoped3A = tpu.sem_alloc : memref<!tpu.dma_semaphore, #tpu.memory_space<semaphore_mem>>
      %dma_start3A = tpu.memref_slice %arg2[%add3A_19] : memref<640000xi32, #tpu.memory_space<hbm>> -> memref<10000xi32, #tpu.memory_space<hbm>>
      %dma_start3A_28 = tpu.memref_slice %arg2[%add3A_19] : memref<640000xi32, #tpu.memory_space<hbm>> -> memref<10000xi32, #tpu.memory_space<hbm>>
      tpu.enqueue_dma source(%dma_start3A_28 : memref<10000xi32, #tpu.memory_space<hbm>>) target(%arg4 : memref<10000xi32, #tpu.memory_space<vmem>>) target_semaphore(%run_scoped3A : memref<!tpu.dma_semaphore, #tpu.memory_space<semaphore_mem>>)
      %dma_wait3A = tpu.memref_slice %arg2[%add3A_19] : memref<640000xi32, #tpu.memory_space<hbm>> -> memref<10000xi32, #tpu.memory_space<hbm>>
      %dma_wait3A_29 = tpu.memref_slice %arg2[%add3A_19] : memref<640000xi32, #tpu.memory_space<hbm>> -> memref<10000xi32, #tpu.memory_space<hbm>>
      tpu.wait_dma2 semaphore(%run_scoped3A : memref<!tpu.dma_semaphore, #tpu.memory_space<semaphore_mem>>) src(%dma_wait3A_29 : memref<10000xi32, #tpu.memory_space<hbm>>) dst(%arg4 : memref<10000xi32, #tpu.memory_space<vmem>>)
      tpu.yield
    }) : () -> ()
    %barrier3A = arith.constant 0 : index
    tpu.barrier barrier_id(%barrier3A)
    "tpu.region"() ({
      %run_scoped3A = tpu.sem_alloc : memref<!tpu.dma_semaphore, #tpu.memory_space<semaphore_mem>>
      %run_scoped3A_28 = tpu.sem_alloc : memref<!tpu.dma_semaphore, #tpu.memory_space<semaphore_mem>>
      %run_scoped3A_29 = tpu.sem_alloc : memref<!tpu.dma_semaphore, #tpu.memory_space<semaphore_mem>>
      %run_scoped3A_30 = tpu.sem_alloc : memref<!tpu.dma_semaphore, #tpu.memory_space<semaphore_mem>>
      %run_scoped3A_31 = tpu.sem_alloc : memref<!tpu.dma_semaphore, #tpu.memory_space<semaphore_mem>>
      %dma_start3A = arith.constant 0 : i32
      %dma_start3A_32 = tpu.memref_slice %arg4[%dma_start3A] : memref<10000xi32, #tpu.memory_space<vmem>> -> memref<2000xi32, #tpu.memory_space<vmem>>
      %dma_start3A_33 = arith.constant 0 : i32
      %dma_start3A_34 = tpu.memref_slice %arg7[%dma_start3A_33] : memref<10240xf32, #tpu.memory_space<vmem_shared>> -> memref<10240xf32, #tpu.memory_space<vmem_shared>>
      tpu.enqueue_indirect_dma source(%arg5 : memref<2000xf32, #tpu.memory_space<vmem>>) target(%dma_start3A_34 : memref<10240xf32, #tpu.memory_space<vmem_shared>>) offsets(%dma_start3A_32 : memref<2000xi32, #tpu.memory_space<vmem>>) semaphore(%run_scoped3A : memref<!tpu.dma_semaphore, #tpu.memory_space<semaphore_mem>>) {add = true}
      %dma_start3A_35 = arith.constant 2000 : i32
      %dma_start3A_36 = tpu.memref_slice %arg4[%dma_start3A_35] : memref<10000xi32, #tpu.memory_space<vmem>> -> memref<2000xi32, #tpu.memory_space<vmem>>
      %dma_start3A_37 = arith.constant 0 : i32
      %dma_start3A_38 = tpu.memref_slice %arg7[%dma_start3A_37] : memref<10240xf32, #tpu.memory_space<vmem_shared>> -> memref<10240xf32, #tpu.memory_space<vmem_shared>>
      tpu.enqueue_indirect_dma source(%arg5 : memref<2000xf32, #tpu.memory_space<vmem>>) target(%dma_start3A_38 : memref<10240xf32, #tpu.memory_space<vmem_shared>>) offsets(%dma_start3A_36 : memref<2000xi32, #tpu.memory_space<vmem>>) semaphore(%run_scoped3A_28 : memref<!tpu.dma_semaphore, #tpu.memory_space<semaphore_mem>>) {add = true}
      %dma_start3A_39 = arith.constant 4000 : i32
      %dma_start3A_40 = tpu.memref_slice %arg4[%dma_start3A_39] : memref<10000xi32, #tpu.memory_space<vmem>> -> memref<2000xi32, #tpu.memory_space<vmem>>
      %dma_start3A_41 = arith.constant 0 : i32
      %dma_start3A_42 = tpu.memref_slice %arg7[%dma_start3A_41] : memref<10240xf32, #tpu.memory_space<vmem_shared>> -> memref<10240xf32, #tpu.memory_space<vmem_shared>>
      tpu.enqueue_indirect_dma source(%arg5 : memref<2000xf32, #tpu.memory_space<vmem>>) target(%dma_start3A_42 : memref<10240xf32, #tpu.memory_space<vmem_shared>>) offsets(%dma_start3A_40 : memref<2000xi32, #tpu.memory_space<vmem>>) semaphore(%run_scoped3A_29 : memref<!tpu.dma_semaphore, #tpu.memory_space<semaphore_mem>>) {add = true}
      %dma_start3A_43 = arith.constant 6000 : i32
      %dma_start3A_44 = tpu.memref_slice %arg4[%dma_start3A_43] : memref<10000xi32, #tpu.memory_space<vmem>> -> memref<2000xi32, #tpu.memory_space<vmem>>
      %dma_start3A_45 = arith.constant 0 : i32
      %dma_start3A_46 = tpu.memref_slice %arg7[%dma_start3A_45] : memref<10240xf32, #tpu.memory_space<vmem_shared>> -> memref<10240xf32, #tpu.memory_space<vmem_shared>>
      tpu.enqueue_indirect_dma source(%arg5 : memref<2000xf32, #tpu.memory_space<vmem>>) target(%dma_start3A_46 : memref<10240xf32, #tpu.memory_space<vmem_shared>>) offsets(%dma_start3A_44 : memref<2000xi32, #tpu.memory_space<vmem>>) semaphore(%run_scoped3A_30 : memref<!tpu.dma_semaphore, #tpu.memory_space<semaphore_mem>>) {add = true}
      %dma_start3A_47 = arith.constant 8000 : i32
      %dma_start3A_48 = tpu.memref_slice %arg4[%dma_start3A_47] : memref<10000xi32, #tpu.memory_space<vmem>> -> memref<2000xi32, #tpu.memory_space<vmem>>
      %dma_start3A_49 = arith.constant 0 : i32
      %dma_start3A_50 = tpu.memref_slice %arg7[%dma_start3A_49] : memref<10240xf32, #tpu.memory_space<vmem_shared>> -> memref<10240xf32, #tpu.memory_space<vmem_shared>>
      tpu.enqueue_indirect_dma source(%arg5 : memref<2000xf32, #tpu.memory_space<vmem>>) target(%dma_start3A_50 : memref<10240xf32, #tpu.memory_space<vmem_shared>>) offsets(%dma_start3A_48 : memref<2000xi32, #tpu.memory_space<vmem>>) semaphore(%run_scoped3A_31 : memref<!tpu.dma_semaphore, #tpu.memory_space<semaphore_mem>>) {add = true}
      %dma_wait3A = arith.constant 0 : i32
      %dma_wait3A_51 = tpu.memref_slice %arg4[%dma_wait3A] : memref<10000xi32, #tpu.memory_space<vmem>> -> memref<2000xi32, #tpu.memory_space<vmem>>
      %dma_wait3A_52 = arith.constant 0 : i32
      %dma_wait3A_53 = tpu.memref_slice %arg7[%dma_wait3A_52] : memref<10240xf32, #tpu.memory_space<vmem_shared>> -> memref<10240xf32, #tpu.memory_space<vmem_shared>>
      tpu.wait_indirect_dma semaphore(%run_scoped3A : memref<!tpu.dma_semaphore, #tpu.memory_space<semaphore_mem>>) src(%arg5 : memref<2000xf32, #tpu.memory_space<vmem>>) dst(%dma_wait3A_53 : memref<10240xf32, #tpu.memory_space<vmem_shared>>)
      %dma_wait3A_54 = arith.constant 2000 : i32
      %dma_wait3A_55 = tpu.memref_slice %arg4[%dma_wait3A_54] : memref<10000xi32, #tpu.memory_space<vmem>> -> memref<2000xi32, #tpu.memory_space<vmem>>
      %dma_wait3A_56 = arith.constant 0 : i32
      %dma_wait3A_57 = tpu.memref_slice %arg7[%dma_wait3A_56] : memref<10240xf32, #tpu.memory_space<vmem_shared>> -> memref<10240xf32, #tpu.memory_space<vmem_shared>>
      tpu.wait_indirect_dma semaphore(%run_scoped3A_28 : memref<!tpu.dma_semaphore, #tpu.memory_space<semaphore_mem>>) src(%arg5 : memref<2000xf32, #tpu.memory_space<vmem>>) dst(%dma_wait3A_57 : memref<10240xf32, #tpu.memory_space<vmem_shared>>)
      %dma_wait3A_58 = arith.constant 4000 : i32
      %dma_wait3A_59 = tpu.memref_slice %arg4[%dma_wait3A_58] : memref<10000xi32, #tpu.memory_space<vmem>> -> memref<2000xi32, #tpu.memory_space<vmem>>
      %dma_wait3A_60 = arith.constant 0 : i32
      %dma_wait3A_61 = tpu.memref_slice %arg7[%dma_wait3A_60] : memref<10240xf32, #tpu.memory_space<vmem_shared>> -> memref<10240xf32, #tpu.memory_space<vmem_shared>>
      tpu.wait_indirect_dma semaphore(%run_scoped3A_29 : memref<!tpu.dma_semaphore, #tpu.memory_space<semaphore_mem>>) src(%arg5 : memref<2000xf32, #tpu.memory_space<vmem>>) dst(%dma_wait3A_61 : memref<10240xf32, #tpu.memory_space<vmem_shared>>)
      %dma_wait3A_62 = arith.constant 6000 : i32
      %dma_wait3A_63 = tpu.memref_slice %arg4[%dma_wait3A_62] : memref<10000xi32, #tpu.memory_space<vmem>> -> memref<2000xi32, #tpu.memory_space<vmem>>
      %dma_wait3A_64 = arith.constant 0 : i32
      %dma_wait3A_65 = tpu.memref_slice %arg7[%dma_wait3A_64] : memref<10240xf32, #tpu.memory_space<vmem_shared>> -> memref<10240xf32, #tpu.memory_space<vmem_shared>>
      tpu.wait_indirect_dma semaphore(%run_scoped3A_30 : memref<!tpu.dma_semaphore, #tpu.memory_space<semaphore_mem>>) src(%arg5 : memref<2000xf32, #tpu.memory_space<vmem>>) dst(%dma_wait3A_65 : memref<10240xf32, #tpu.memory_space<vmem_shared>>)
      %dma_wait3A_66 = arith.constant 8000 : i32
      %dma_wait3A_67 = tpu.memref_slice %arg4[%dma_wait3A_66] : memref<10000xi32, #tpu.memory_space<vmem>> -> memref<2000xi32, #tpu.memory_space<vmem>>
      %dma_wait3A_68 = arith.constant 0 : i32
      %dma_wait3A_69 = tpu.memref_slice %arg7[%dma_wait3A_68] : memref<10240xf32, #tpu.memory_space<vmem_shared>> -> memref<10240xf32, #tpu.memory_space<vmem_shared>>
      tpu.wait_indirect_dma semaphore(%run_scoped3A_31 : memref<!tpu.dma_semaphore, #tpu.memory_space<semaphore_mem>>) src(%arg5 : memref<2000xf32, #tpu.memory_space<vmem>>) dst(%dma_wait3A_69 : memref<10240xf32, #tpu.memory_space<vmem_shared>>)
      tpu.yield
    }) : () -> ()
    %barrier3A_20 = arith.constant 0 : index
    tpu.barrier barrier_id(%barrier3A_20)
    %mul3A_21 = arith.constant 640 : i32
    %mul3A_22 = arith.muli %arg1, %mul3A_21 : i32
    %mul3A_23 = arith.constant 10240 : i32
    %mul3A_24 = arith.muli %arg0, %mul3A_23 : i32
    %mul3A_25 = arith.constant 640 : i32
    %mul3A_26 = arith.muli %arg1, %mul3A_25 : i32
    %add3A_27 = arith.addi %mul3A_24, %mul3A_26 : i32
    "tpu.region"() ({
      %run_scoped3A = tpu.sem_alloc : memref<!tpu.dma_semaphore, #tpu.memory_space<semaphore_mem>>
      %dma_start3A = tpu.memref_slice %arg3[%add3A_27] : memref<20480xf32, #tpu.memory_space<hbm>> -> memref<640xf32, #tpu.memory_space<hbm>>
      %dma_start3A_28 = tpu.memref_slice %arg7[%mul3A_22] : memref<10240xf32, #tpu.memory_space<vmem_shared>> -> memref<640xf32, #tpu.memory_space<vmem_shared>>
      tpu.enqueue_dma source(%dma_start3A_28 : memref<640xf32, #tpu.memory_space<vmem_shared>>) target(%dma_start3A : memref<640xf32, #tpu.memory_space<hbm>>) target_semaphore(%run_scoped3A : memref<!tpu.dma_semaphore, #tpu.memory_space<semaphore_mem>>)
      %dma_wait3A = tpu.memref_slice %arg3[%add3A_27] : memref<20480xf32, #tpu.memory_space<hbm>> -> memref<640xf32, #tpu.memory_space<hbm>>
      %dma_wait3A_29 = tpu.memref_slice %arg7[%mul3A_22] : memref<10240xf32, #tpu.memory_space<vmem_shared>> -> memref<640xf32, #tpu.memory_space<vmem_shared>>
      tpu.wait_dma2 semaphore(%run_scoped3A : memref<!tpu.dma_semaphore, #tpu.memory_space<semaphore_mem>>) src(%dma_wait3A_29 : memref<640xf32, #tpu.memory_space<vmem_shared>>) dst(%dma_wait3A : memref<640xf32, #tpu.memory_space<hbm>>)
      tpu.yield
    }) : () -> ()
    return
  }
}

module attributes {stable_mosaic.version = 14 : i64} {
  func.func @_scale_body(%arg0: memref<10240xf32, #tpu.memory_space<vmem>>, %arg1: memref<10240xf32, #tpu.memory_space<vmem>>, %arg2: memref<20480xf32, #tpu.memory_space<vmem>>, %arg3: memref<10240xf32, #tpu.memory_space<vmem>>, %arg4: memref<10240xf32, #tpu.memory_space<vmem>>, %arg5: memref<10240xf32, #tpu.memory_space<vmem>>) attributes {dimension_semantics = [], scalar_prefetch = 0 : i64, scratch_operands = 0 : i64, tpu.core_type = #tpu.core_type<tc>} {
    %get3A = arith.constant 0 : index
    %get3A_0 = vector.load %arg2[%get3A] : memref<20480xf32, #tpu.memory_space<vmem>>, vector<10240xf32>
    %get3A_1 = arith.constant 10240 : index
    %get3A_2 = vector.load %arg2[%get3A_1] : memref<20480xf32, #tpu.memory_space<vmem>>, vector<10240xf32>
    %add3A = arith.addf %get3A_0, %get3A_2 : vector<10240xf32>
    %add3A_3 = arith.constant 1.000000e+00 : f32
    %add3A_4 = vector.broadcast %add3A_3 : f32 to vector<10240xf32>
    %add3A_5 = arith.addf %add3A, %add3A_4 : vector<10240xf32>
    %rsqrt3A = math.rsqrt %add3A_5 : vector<10240xf32>
    %swap3A = arith.constant 0 : index
    %swap3A_6 = vector.load %arg5[%swap3A] : memref<10240xf32, #tpu.memory_space<vmem>>, vector<10240xf32>
    tpu.vector_store %arg5[%swap3A], %rsqrt3A {strides = array<i32>} : memref<10240xf32, #tpu.memory_space<vmem>>, vector<10240xf32>,
    %get3A_7 = arith.constant 0 : index
    %get3A_8 = vector.load %arg0[%get3A_7] : memref<10240xf32, #tpu.memory_space<vmem>>, vector<10240xf32>
    %mul3A = arith.mulf %get3A_8, %rsqrt3A : vector<10240xf32>
    %swap3A_9 = arith.constant 0 : index
    %swap3A_10 = vector.load %arg3[%swap3A_9] : memref<10240xf32, #tpu.memory_space<vmem>>, vector<10240xf32>
    tpu.vector_store %arg3[%swap3A_9], %mul3A {strides = array<i32>} : memref<10240xf32, #tpu.memory_space<vmem>>, vector<10240xf32>,
    %get3A_11 = arith.constant 0 : index
    %get3A_12 = vector.load %arg1[%get3A_11] : memref<10240xf32, #tpu.memory_space<vmem>>, vector<10240xf32>
    %mul3A_13 = arith.mulf %get3A_12, %rsqrt3A : vector<10240xf32>
    %swap3A_14 = arith.constant 0 : index
    %swap3A_15 = vector.load %arg4[%swap3A_14] : memref<10240xf32, #tpu.memory_space<vmem>>, vector<10240xf32>
    tpu.vector_store %arg4[%swap3A_14], %mul3A_13 {strides = array<i32>} : memref<10240xf32, #tpu.memory_space<vmem>>, vector<10240xf32>,
    return
  }
}

module attributes {stable_mosaic.version = 14 : i64} {
  func.func @_mm_body(%arg0: memref<10000x128xf32, #tpu.memory_space<vmem>>, %arg1: memref<128xf32, #tpu.memory_space<vmem>>, %arg2: memref<128xf32, #tpu.memory_space<vmem>>, %arg3: memref<10240xf32, #tpu.memory_space<vmem>>, %arg4: memref<10240xf32, #tpu.memory_space<vmem>>) attributes {dimension_semantics = [], scalar_prefetch = 0 : i64, scratch_operands = 0 : i64, tpu.core_type = #tpu.core_type<tc>} {
    %get3A = arith.constant 0 : index
    %get3A_0 = arith.constant 0 : index
    %get3A_1 = vector.load %arg0[%get3A, %get3A_0] : memref<10000x128xf32, #tpu.memory_space<vmem>>, vector<10000x128xf32>
    %get3A_2 = arith.constant 0 : index
    %get3A_3 = vector.load %arg1[%get3A_2] : memref<128xf32, #tpu.memory_space<vmem>>, vector<128xf32>
    %broadcast_in_dim3A = vector.shape_cast %get3A_3 : vector<128xf32> to vector<1x128xf32>
    %mul3A = vector.broadcast %broadcast_in_dim3A : vector<1x128xf32> to vector<10000x128xf32>
    %mul3A_4 = arith.mulf %get3A_1, %mul3A : vector<10000x128xf32>
    %reduce_sum3A = arith.constant dense<0.000000e+00> : vector<10000xf32>
    %reduce_sum3A_5 = vector.multi_reduction <add>, %mul3A_4, %reduce_sum3A [1] : vector<10000x128xf32> to vector<10000xf32>
    %get3A_6 = arith.constant 0 : index
    %get3A_7 = vector.load %arg2[%get3A_6] : memref<128xf32, #tpu.memory_space<vmem>>, vector<128xf32>
    %broadcast_in_dim3A_8 = vector.shape_cast %get3A_7 : vector<128xf32> to vector<1x128xf32>
    %mul3A_9 = vector.broadcast %broadcast_in_dim3A_8 : vector<1x128xf32> to vector<10000x128xf32>
    %mul3A_10 = arith.mulf %get3A_1, %mul3A_9 : vector<10000x128xf32>
    %reduce_sum3A_11 = arith.constant dense<0.000000e+00> : vector<10000xf32>
    %reduce_sum3A_12 = vector.multi_reduction <add>, %mul3A_10, %reduce_sum3A_11 [1] : vector<10000x128xf32> to vector<10000xf32>
    %jit3A = arith.constant 0 : i32
    %convert_element_type3A = arith.sitofp %jit3A : i32 to f32
    %pad3A = vector.broadcast %convert_element_type3A : f32 to vector<240xf32>
    %pad3A_13 = tpu.concatenate %reduce_sum3A_5, %pad3A in 0 : vector<10000xf32>, vector<240xf32> -> vector<10240xf32>
    %swap3A = arith.constant 0 : index
    %swap3A_14 = vector.load %arg3[%swap3A] : memref<10240xf32, #tpu.memory_space<vmem>>, vector<10240xf32>
    tpu.vector_store %arg3[%swap3A], %pad3A_13 {strides = array<i32>} : memref<10240xf32, #tpu.memory_space<vmem>>, vector<10240xf32>,
    %jit3A_15 = arith.constant 0 : i32
    %convert_element_type3A_16 = arith.sitofp %jit3A_15 : i32 to f32
    %pad3A_17 = vector.broadcast %convert_element_type3A_16 : f32 to vector<240xf32>
    %pad3A_18 = tpu.concatenate %reduce_sum3A_12, %pad3A_17 in 0 : vector<10000xf32>, vector<240xf32> -> vector<10240xf32>
    %swap3A_19 = arith.constant 0 : index
    %swap3A_20 = vector.load %arg4[%swap3A_19] : memref<10240xf32, #tpu.memory_space<vmem>>, vector<10240xf32>
    tpu.vector_store %arg4[%swap3A_19], %pad3A_18 {strides = array<i32>} : memref<10240xf32, #tpu.memory_space<vmem>>, vector<10240xf32>,
    return
  }
}

module attributes {stable_mosaic.version = 14 : i64} {
  func.func @_comb_body(%arg0: memref<20480xf32, #tpu.memory_space<vmem>>, %arg1: memref<20480xf32, #tpu.memory_space<vmem>>, %arg2: memref<10240xf32, #tpu.memory_space<vmem>>, %arg3: memref<10240xf32, #tpu.memory_space<vmem>>, %arg4: memref<10240xf32, #tpu.memory_space<vmem>>, %arg5: memref<2xf32, #tpu.memory_space<smem>>, %arg6: memref<10000x2xf32, #tpu.memory_space<vmem>>) attributes {dimension_semantics = [], scalar_prefetch = 0 : i64, scratch_operands = 0 : i64, tpu.core_type = #tpu.core_type<tc>} {
    %get3A = arith.constant 0 : index
    %get3A_0 = vector.load %arg4[%get3A] : memref<10240xf32, #tpu.memory_space<vmem>>, vector<10240xf32>
    %get3A_1 = arith.constant 0 : index
    %get3A_2 = vector.load %arg2[%get3A_1] : memref<10240xf32, #tpu.memory_space<vmem>>, vector<10240xf32>
    %get3A_3 = arith.constant 0 : index
    %get3A_4 = vector.load %arg3[%get3A_3] : memref<10240xf32, #tpu.memory_space<vmem>>, vector<10240xf32>
    %get3A_5 = arith.constant 0 : index
    %get3A_6 = vector.load %arg0[%get3A_5] : memref<20480xf32, #tpu.memory_space<vmem>>, vector<10240xf32>
    %add3A = arith.addf %get3A_2, %get3A_6 : vector<10240xf32>
    %get3A_7 = arith.constant 0 : index
    %get3A_8 = vector.load %arg1[%get3A_7] : memref<20480xf32, #tpu.memory_space<vmem>>, vector<10240xf32>
    %add3A_9 = arith.addf %get3A_4, %get3A_8 : vector<10240xf32>
    %get3A_10 = arith.constant 10240 : index
    %get3A_11 = vector.load %arg0[%get3A_10] : memref<20480xf32, #tpu.memory_space<vmem>>, vector<10240xf32>
    %add3A_12 = arith.addf %add3A, %get3A_11 : vector<10240xf32>
    %get3A_13 = arith.constant 10240 : index
    %get3A_14 = vector.load %arg1[%get3A_13] : memref<20480xf32, #tpu.memory_space<vmem>>, vector<10240xf32>
    %add3A_15 = arith.addf %add3A_9, %get3A_14 : vector<10240xf32>
    %mul3A = arith.mulf %add3A_12, %get3A_0 : vector<10240xf32>
    %get3A_16 = arith.constant 0 : index
    %get3A_17 = memref.load %arg5[%get3A_16] : memref<2xf32, #tpu.memory_space<smem>>
    %add3A_18 = vector.broadcast %get3A_17 : f32 to vector<10240xf32>
    %add3A_19 = arith.addf %mul3A, %add3A_18 : vector<10240xf32>
    %mul3A_20 = arith.mulf %add3A_15, %get3A_0 : vector<10240xf32>
    %get3A_21 = arith.constant 1 : index
    %get3A_22 = memref.load %arg5[%get3A_21] : memref<2xf32, #tpu.memory_space<smem>>
    %add3A_23 = vector.broadcast %get3A_22 : f32 to vector<10240xf32>
    %add3A_24 = arith.addf %mul3A_20, %add3A_23 : vector<10240xf32>
    %stack3A = vector.shape_cast %add3A_19 : vector<10240xf32> to vector<10240x1xf32>
    %stack3A_25 = vector.shape_cast %add3A_24 : vector<10240xf32> to vector<10240x1xf32>
    %stack3A_26 = tpu.concatenate %stack3A, %stack3A_25 in 1 : vector<10240x1xf32>, vector<10240x1xf32> -> vector<10240x2xf32>
    %slice3A = vector.extract_strided_slice %stack3A_26 {offsets = [0, 0], sizes = [10000, 2], strides = [1, 1]} : vector<10240x2xf32> to vector<10000x2xf32>
    %swap3A = arith.constant 0 : index
    %swap3A_27 = arith.constant 0 : index
    %swap3A_28 = vector.load %arg6[%swap3A, %swap3A_27] : memref<10000x2xf32, #tpu.memory_space<vmem>>, vector<10000x2xf32>
    tpu.vector_store %arg6[%swap3A, %swap3A_27], %slice3A {strides = array<i32>} : memref<10000x2xf32, #tpu.memory_space<vmem>>, vector<10000x2xf32>,
    return
  }
}

</mosaic_0001>

<sc_bundles>
// kernel: kernel.10.cloned.1.call-start
scs
__scs_entry_jumppad:
0x0: {  	(pc) =	sbr.rel $0x88, $3  }
0x1: {  	(tag) =	ssettag $0x0;
	lr =	simm.s32 $0x1  }
0x2: {  	[smem:$0x3F9D] =	sst lr;
	_ =	strace $0xD0000000  }
0x3: {  	_ = 	snop  }
0x4: {  	_ = 	snop  }
0x5: {  	_ = 	snop  }
0x6: {  	_ = 	snop  }
0x7: {  	_ = 	snop  }
__scs_overlays_trampoline_lowered:
0x8: {  	[smem:$0x3FAC] =	sst s0  }
0x9: {  	[smem:$0x3FAD] =	sst s1  }
0xa: {  	[smem:$0x3FAE] =	sst s2  }
0xb: {  	[smem:$0x3FAF] =	sst s3  }
0xc: {  	[smem:$0x3FB0] =	sst s4  }
0xd: {  	[smem:$0x3FB1] =	sst s5  }
0xe: {  	[smem:$0x3FB2] =	sst s6  }
0xf: {  	[smem:$0x3FB3] =	sst s7  }
0x10: {  	[smem:$0x3FB4] =	sst s8  }
0x11: {  	[smem:$0x3FB5] =	sst s9;
	s0 =	simm.s32 @!p0 $0x0  }
0x12: {  	s1 =	sld [smem:$0x3F9B];
	s0 =	simm.s32 @p0 $0x1  }
0x13: {  	[smem:$0x3FB6] =	sst s0;
	s0 =	simm.s32 @!p1 $0x0  }
0x14: {  	s2 =	sld [smem:$0x3F9A];
	s0 =	simm.s32 @p1 $0x1  }
0x15: {  	[smem:$0x3FB7] =	sst s0;
	s0 =	simm.s32 @!p2 $0x0  }
0x16: {  	s3 =	sld [smem:$0x3FDB];
	s0 =	simm.s32 @p2 $0x1  }
0x17: {  	s4 =	simm.s32 $0x1BF5;
	[smem:$0x3FB9] =	sst s0  }
0x18: {  	s0 =	sld [smem:$0x3F9C];
	_ =	swait.ge [sflag:s4], $0x0  }
0x19: {  	s7 =	sld [smem:$0x3F9D]  }
0x1a: {  	s8 =	sadd.s32 $0xFFFFE003, lr  }
0x1b: {  	s9 =	sadd.s32 $0xFFFFFEF7, lr;
	s5 =	simm.s32 $0xFFFFFFFF;
	p2 =	slt.u32 s8, $0xFFFFF086  }
0x1c: {  	p1 =	slt.u32 s9, $0xF7A;
	s5 =	simm.s32 @!p2 $0x0  }
0x1d: {  	s5 =	simm.s32 @p1 $0x1;
	p0 =	seq.s32 s7, s2  }
0x1e: {  	s7 =	smul.u32 @!p0 $0xF7A, s2;
	p2 =	seq.s32 @!p0 s5, $0x0  }
0x1f: {  	s9 =	smul.u32 $0xF7A, s1;
	s8 =	simm.s32 @!p0 $0x1BF5;
	p2 =	por !p2, p0  }
0x20: {  	[sflag:s8] =	ssyncset.s32 @!p0 $0xFFFFF086;
	s6 =	sadd.s32 @!p0 s3, s7;
	s7 =	simm.s32 @!p0 $0x108  }
0x21: {  	s3 =	sadd.s32 s3, s9;
	s6 =	sadd.s32 @!p0 $0x88, s6;
	s7 =	simm.s32 @p2 $0x1082  }
0x22: {  	[simem:s7], [sflag:s8] =	dma.local @!p0 [hbm:s6], $0xF7A  }
0x23: {  	s9 =	sor.u32 $0xD0000000, s2;
	s6 =	simm.s32 $0x108;
	_ =	swait.ge @!p0 [sflag:s8], $0x0  }
0x24: {  	s3 =	sadd.s32 $0x88, s3;
	s6 =	simm.s32 @!p1 $0x1082;
	[sflag:s4] =	ssyncset.s32 $0xFFFFF086  }
0x25: {  	[simem:s6], [sflag:s4] =	dma.local [hbm:s3], $0xF7A  }
0x26: {  	[smem:$0x3F9D] =	sst s1;
	(tag) =	ssettag s2;
	_ =	strace s9  }
0x27: {  	s1 =	sld [smem:$0x3FAD]  }
0x28: {  	s2 =	sld [smem:$0x3FAE]  }
0x29: {  	s4 =	sld [smem:$0x3FB0]  }
0x2a: {  	p0 =	seq.s32 s5, $0x0;
	s5 =	sld [smem:$0x3FB1]  }
0x2b: {  	s6 =	sld [smem:$0x3FB2]  }
0x2c: {  	s7 =	sld [smem:$0x3FB3]  }
0x2d: {  	s3 =	simm.s32 $0x108;
	s8 =	sld [smem:$0x3FB4]  }
0x2e: {  	s3 =	simm.s32 @!p0 $0x1082;
	s9 =	sld [smem:$0x3FB5]  }
0x2f: {  	lr =	sadd.s32 s0, s3;
	s0 =	sld [smem:$0x3FAC]  }
0x30: {  	s3 =	sld [smem:$0x3FAF]  }
0x31: {  	[smem:$0x3FB8] =	sst s10  }
0x32: {  	s10 =	sld [smem:$0x3FB6];
	_ =	sdelay $0x3  }
0x33: {  	p0 =	seq.s32 s10, $0x1;
	s10 =	sld [smem:$0x3FB8];
	_ =	sdelay $0x3  }
0x34: {  	[smem:$0x3FB8] =	sst s10  }
0x35: {  	s10 =	sld [smem:$0x3FB7];
	_ =	sdelay $0x3  }
0x36: {  	p1 =	seq.s32 s10, $0x1;
	s10 =	sld [smem:$0x3FB8];
	_ =	sdelay $0x3  }
0x37: {  	[smem:$0x3FB8] =	sst s10  }
0x38: {  	s10 =	sld [smem:$0x3FB9]  }
0x39: {  	_ = 	snop;
	(pc) =	sbr.ind lr, $3  }
0x3a: {  	_ = 	snop  }
0x3b: {  	_ = 	snop  }
0x3c: {  	p2 =	seq.s32 s10, $0x1;
	s10 =	sld [smem:$0x3FB8]  }
0x3d: {  	_ =	shalt  }
0x3e: {  	_ =	shalt  }
0x3f: {  	_ =	shalt  }
0x40: {  	_ =	shalt  }
0x41: {  	_ =	shalt  }
0x42: {  	_ =	shalt  }
0x43: {  	_ =	shalt  }
0x44: {  	_ =	shalt  }
0x45: {  	_ =	shalt  }
0x46: {  	_ =	shalt  }
0x47: {  	_ =	shalt  }
0x48: {  	_ =	shalt  }
0x49: {  	_ =	shalt  }
0x4a: {  	_ =	shalt  }
0x4b: {  	_ =	shalt  }
0x4c: {  	_ =	shalt  }
0x4d: {  	_ =	shalt  }
0x4e: {  	_ =	shalt  }
0x4f: {  	_ =	shalt  }
0x50: {  	_ =	shalt  }
0x51: {  	_ =	shalt  }
0x52: {  	_ =	shalt  }
0x53: {  	_ =	shalt  }
0x54: {  	_ =	shalt  }
0x55: {  	_ =	shalt  }
0x56: {  	_ =	shalt  }
0x57: {  	_ =	shalt  }
0x58: {  	_ =	shalt  }
0x59: {  	_ =	shalt  }
0x5a: {  	_ =	shalt  }
0x5b: {  	_ =	shalt  }
0x5c: {  	_ =	shalt  }
0x5d: {  	_ =	shalt  }
0x5e: {  	_ =	shalt  }
0x5f: {  	_ =	shalt  }
0x60: {  	_ =	shalt  }
0x61: {  	_ =	shalt  }
0x62: {  	_ =	shalt  }
0x63: {  	_ =	shalt  }
0x64: {  	_ =	shalt  }
0x65: {  	_ =	shalt  }
0x66: {  	_ =	shalt  }
0x67: {  	_ =	shalt  }
0x68: {  	_ =	shalt  }
0x69: {  	_ =	shalt  }
0x6a: {  	_ =	shalt  }
0x6b: {  	_ =	shalt  }
0x6c: {  	_ =	shalt  }
0x6d: {  	_ =	shalt  }
0x6e: {  	_ =	shalt  }
0x6f: {  	_ =	shalt  }
0x70: {  	_ =	shalt  }
0x71: {  	_ =	shalt  }
0x72: {  	_ =	shalt  }
0x73: {  	_ =	shalt  }
0x74: {  	_ =	shalt  }
0x75: {  	_ =	shalt  }
0x76: {  	_ =	shalt  }
0x77: {  	_ =	shalt  }
0x78: {  	_ =	shalt  }
0x79: {  	_ =	shalt  }
0x7a: {  	_ =	shalt  }
0x7b: {  	_ =	shalt  }
0x7c: {  	_ =	shalt  }
0x7d: {  	_ =	shalt  }
0x7e: {  	_ =	shalt  }
0x7f: {  	_ =	shalt  }
0x80: {  	_ =	shalt  }
0x81: {  	_ =	shalt  }
0x82: {  	_ =	shalt  }
0x83: {  	_ =	shalt  }
0x84: {  	_ =	shalt  }
0x85: {  	_ =	shalt  }
0x86: {  	_ =	shalt  }
0x87: {  	_ =	shalt  }
.Lfunc_end0:
.L_simem_size_0:
called_computation.1_lowered:
.L_overlay_start_0:
0x88: {  	s2 =	sld [smem:$0x3FD9]  }
0x89: {  	s3 =	sld [smem:$0x3FFE];
	_ =	sdelay $0x1  }
0x8a: {  	s1 =	srdreg.scid  }
0x8b: {  	s0 =	sand.u32 $0x1, s1  }
0x8c: {  	s17 =	sshll.u32 s0, $0xA;
	s2 =	sadd.s32 s3, s2  }
0x8d: {  	s2 =	sadd.s32 s2, s17  }
0x8e: {  	[smem:$0x3FC4] =	sst s2  }
0x8f: {  	_ = 	snop  }
0x90: {  	s2 =	sld [smem:$0x3FD0];
	(tm) =	ssettm $0x1  }
0x91: {  	s18 =	sld [smem:$0x3FFB];
	_ =	sdelay $0x3  }
0x92: {  	_ =	strace s18  }
0x93: {  	s3 =	sld [smem:$0x3FFC];
	_ =	sdelay $0x3  }
0x94: {  	_ =	strace s3  }
0x95: {  	s3 =	sld [smem:$0x3FFD];
	_ =	sdelay $0x3  }
0x96: {  	_ =	strace s3  }
0x97: {  	_ =	strace $0x8FFFFFFF  }
0x98: {  	s19 =	sld [smem:$0x3FDB];
	_ =	sdelay $0x1  }
0x99: {  	s4 =	simm.s32 $_scs_section_size  }
0x9a: {  	s5 =	simm.s32 $_size__tile_overlayer_lowered;
	s6 =	simm.s32 $_tile_overlayer_lowered  }
0x9b: {  	s22 =	simm.s32 $0x1BFF;
	s21 =	sshll.u32 s6, $0x1;
	s3 =	sadd.s32 s4, s19  }
0x9c: {  	s7 =	simm.s32 $0x0;
	s20 =	sshll.u32 s5, $0x1;
	s5 =	sadd.s32 s21, s3  }
0x9d: {  	[timem:s7], [sflag:s22] =	dma.local [hbm:s5], s20  }
0x9e: {  	_ =	swait.ge [sflag:s22], s20  }
0x9f: {  	s4 =	ssub.s32 $0x0, s20;
	[sflag:s22] =	ssyncset.done $0x0  }
0xa0: {  	[sflag:s22] =	ssyncadd.s32 s4;
	_ =	sdelay $0x1  }
0xa1: {  	s23 =	simm.s32 $0x1B8B  }
0xa2: {  	_ =	swait.ge [sflag:s23], $0x1  }
0xa3: {  	[sflag:s23] =	ssyncset.done $0x0  }
0xa4: {  	s25 =	simm.s32 $0x1B8E;
	s24 =	sld [smem:$0x3FFE];
	[sflag:s23] =	ssyncadd.s32 $0xFFFFFFFF  }
0xa5: {  	s26 =	simm.s32 $execute0_lowered;
	[smem:$0x3FD2] =	sst s25  }
0xa6: {  	s5 =	sshll.u32 s26, $0x1;
	_ =	strace $0x80000049;
	[dreg:$0x1] =	wrdreg $0xFFFFFFFF  }
0xa7: {  	s28 =	simm.s32 $_size_execute0_lowered;
	s3 =	sadd.s32 s3, s5;
	[dreg:$0x0] =	wrdreg $0x0  }
0xa8: {  	s5 =	sshll.u32 s28, $0x1;
	[dreg:$0x2] =	wrdreg s3  }
0xa9: {  	[dreg:$0x3] =	wrdreg s5  }
0xaa: {  	[dreg:$0x4] =	wrdreg $0xC0  }
0xab: {  	_ =	task [dreg:s7], $0x5FFFF  }
0xac: {  	[dreg:$0x1] =	wrdreg $0xFFFFFFFF  }
0xad: {  	[dreg:$0x0] =	wrdreg $0x60  }
0xae: {  	[dreg:$0x2] =	wrdreg s24  }
0xaf: {  	[dreg:$0x3] =	wrdreg s2  }
0xb0: {  	[dreg:$0x4] =	wrdreg $0xC1800  }
0xb1: {  	[dreg:$0x5] =	wrdreg $0xC4000  }
0xb2: {  	[dreg:$0x6] =	wrdreg $0x9  }
0xb3: {  	_ =	task.clear_ibuf [dreg:s7], $0x7FFFF;
	_ =	strace $0x90000049  }
0xb4: {  	s29 =	simm.s32 $0x9;
	_ =	strace $0x8000004B  }
0xb5: {  	_ =	swait.ge [sflag:s29], $0x1  }
0xb6: {  	[sflag:s29] =	ssyncadd.s32 $0xFFFFFFFF  }
0xb7: {  	_ =	strace $0x9000004B  }
0xb8: {  	_ =	sfence  }
0xb9: {  	s30 =	sld [smem:$0x0];
	_ =	sdelay $0x2  }
0xba: {  	s31 =	sshll.u32 s1, $0xD;
	s1 =	sshrl.u32 s1, $0x2  }
0xbb: {  	s3 =	sand.u32 $0x4000, s31;
	s1 =	sadd.s32 s1, s30  }
0xbc: {  	s0 =	sor.u32 s3, s0;
	s1 =	sshll.u32 s1, $0x11  }
0xbd: {  	s0 =	sor.u32 s1, s0  }
0xbe: {  	s0 =	sadd.s32 $0x8F2B, s0  }
0xbf: {  	[sflag:s0] =	ssyncadd.remote.s32 $0x1  }
0xc0: {  	_ =	sfence.sel $0xFFFF  }
0xc1: {  	[dreg:$0x0] =	wrdreg $0xFFFFFFFF;
	(pc) =	sbr.abs _section_cstart, $3  }
0xc2: {  	[dreg:$0x1] =	wrdreg $0xFFFFFFFF  }
0xc3: {  	_ =	task.clear_ibuf [dreg:s7], $0x2FFFF;
	_ =	strace $0x9FFFFFFF  }
0xc4: {  	(tm) =	ssettm $0x7FFFFFFF  }
0xc5: {  	_ =	shalt  }
tec
execute0_lowered:
.L_overlay_start_1:
0x0: {  	(tag) =	ssettag $0x1  }
0x1: {  	s1 =	rddreg [dreg:$0x0]  }
0x2: {  	s0 =	srdreg.scid;
	s3 =	rddreg [dreg:$0x2]  }
0x3: {  	s6 =	stileid.u32;
	s4 =	rddreg [dreg:$0x3];
	s5 =	simm.s32 $0x0  }
0x4: {  	s14 =	simm.s32 $0x2780;
	s15 =	simm.s32 $0x4F00;
	s16 =	simm.s32 $0x7700  }
0x5: {  	s17 =	simm.s32 $0x1;
	s18 =	simm.s32 $0xBF00;
	s19 =	simm.s32 $0x7D0  }
0x6: {  	s20 =	simm.s32 $0x9F00;
	s21 =	simm.s32 $0xA700;
	s22 =	simm.s32 $0x2F50  }
0x7: {  	s23 =	simm.s32 $0xAF00;
	s24 =	simm.s32 $0xB700;
	s28 =	simm.s32 $0x3  }
0x8: {  	s29 =	simm.s32 $0x4;
	s30 =	simm.s32 $0x3EF0;
	s31 =	simm.s32 $0x46C0  }
0x9: {  	s0 =	sand.u32 $0x1, s0;
	[smem:$0x7FF] =	sst s5;
	s8 =	sadd.s32 $0x16600, s1  }
0xa: {  	s2 =	sshll.u32 s0, $0x4;
	s7 =	smul.u32 $0x2800, s0;
	_ =	strace $0x8000004A  }
0xb: {  	s0 =	ssub.s32 $0x2, s0;
	s2 =	sor.u32 s6, s2;
	s6 =	smul.u32 $0x280, s6  }
0xc: {  	[dreg:$0x5] =	wrdreg s8;
	s25 =	sshrl.u32 s0, $0x1;
	s2 =	smul.u32 $0x2710, s2  }
0xd: {  	s0 =	ssub.s32 s0, s25;
	s25 =	simm.s32 $0x2;
	s7 =	sadd.s32 s6, s7  }
0xe: {  	s9 =	sadd.s32 s6, s3;
	s10 =	sadd.s32 s6, s4;
	s2 =	sshrl.u32 s2, $0x3  }
0xf: {  	s13 =	smax.u32 s0, $0x1;
	s7 =	sshrl.u32 s7, $0x3;
	s2 =	sadd.s32 s2, s1  }
0x10: {  	s1 =	sadd.s32 s7, s1;
	s26 =	sadd.s32 $0x2C00, s2;
	s2 =	sadd.s32 $0xC840, s2  }
0x11: {  	s11 =	sadd.s32 $0x16C00, s1;
	s12 =	sadd.s32 $0x17600, s1;
	[dreg:$0x6] =	wrdreg s26  }
0x12: {  	v0 =	vimm.f32 $0.0e+00;
	[dreg:$0x7] =	wrdreg s2;
	s26 =	simm.s32 $0x3720;
	s2 =	simm.s32 $0x0  }
.LBB2_1:
0x13: {  	[tilespmem:$0xBF00] =	vst v0  }
0x14: {  	[tilespmem:$0xBF10] =	vst v0  }
0x15: {  	[tilespmem:$0xBF20] =	vst v0  }
0x16: {  	[tilespmem:$0xBF30] =	vst v0  }
0x17: {  	[tilespmem:$0xBF40] =	vst v0  }
0x18: {  	[tilespmem:$0xBF50] =	vst v0  }
0x19: {  	[tilespmem:$0xBF60] =	vst v0  }
0x1a: {  	[tilespmem:$0xBF70] =	vst v0  }
0x1b: {  	[tilespmem:$0xBF80] =	vst v0  }
0x1c: {  	[tilespmem:$0xBF90] =	vst v0  }
0x1d: {  	[tilespmem:$0xBFA0] =	vst v0  }
0x1e: {  	[tilespmem:$0xBFB0] =	vst v0  }
0x1f: {  	[tilespmem:$0xBFC0] =	vst v0  }
0x20: {  	[tilespmem:$0xBFD0] =	vst v0  }
0x21: {  	[tilespmem:$0xBFE0] =	vst v0  }
0x22: {  	[tilespmem:$0xBFF0] =	vst v0  }
0x23: {  	[tilespmem:$0xC000] =	vst v0  }
0x24: {  	[tilespmem:$0xC010] =	vst v0  }
0x25: {  	[tilespmem:$0xC020] =	vst v0  }
0x26: {  	[tilespmem:$0xC030] =	vst v0  }
0x27: {  	[tilespmem:$0xC040] =	vst v0  }
0x28: {  	[tilespmem:$0xC050] =	vst v0  }
0x29: {  	[tilespmem:$0xC060] =	vst v0  }
0x2a: {  	[tilespmem:$0xC070] =	vst v0  }
0x2b: {  	[tilespmem:$0xC080] =	vst v0  }
0x2c: {  	[tilespmem:$0xC090] =	vst v0  }
0x2d: {  	[tilespmem:$0xC0A0] =	vst v0  }
0x2e: {  	[tilespmem:$0xC0B0] =	vst v0  }
0x2f: {  	[tilespmem:$0xC0C0] =	vst v0  }
0x30: {  	[tilespmem:$0xC0D0] =	vst v0  }
0x31: {  	[tilespmem:$0xC0E0] =	vst v0  }
0x32: {  	[tilespmem:$0xC0F0] =	vst v0  }
0x33: {  	[tilespmem:$0xC100] =	vst v0  }
0x34: {  	[tilespmem:$0xC110] =	vst v0  }
0x35: {  	[tilespmem:$0xC120] =	vst v0  }
0x36: {  	[tilespmem:$0xC130] =	vst v0  }
0x37: {  	[tilespmem:$0xC140] =	vst v0  }
0x38: {  	[tilespmem:$0xC150] =	vst v0  }
0x39: {  	[tilespmem:$0xC160] =	vst v0  }
0x3a: {  	[tilespmem:$0xC170] =	vst v0;
	s0 =	rddreg [dreg:$0x6]  }
0x3b: {  	[tilespmem:s5], [sflag:$0x1] =	stream.linear.gather [hbm4b:s0+s5], $0x2710, $0x38;
	[tilespmem:$0xC680] =	vst v63  }
0x3c: {  	s6 =	rddreg [dreg:$0x7]  }
0x3d: {  	[tilespmem:s14], [sflag:$0x1] =	stream.linear.gather [hbm4b:s6+s5], $0x2710, $0x38;
	[tilespmem:$0xC680] =	vst v63  }
0x3e: {  	s7 =	rddreg [dreg:$0x1]  }
0x3f: {  	[tilespmem:s15], [sflag:$0x1] =	stream.linear.gather [hbm4b:s7+s5], $0x2800, $0x38;
	[tilespmem:$0xC680] =	vst v63  }
0x40: {  	s8 =	rddreg [dreg:$0x5]  }
0x41: {  	[tilespmem:s16], [sflag:$0x1] =	stream.linear.gather [hbm4b:s8+s5], $0x2800, $0x38;
	[tilespmem:$0xC680] =	vst v63  }
0x42: {  	_ =	swait.ge [sflag:s17], $0x2710  }
0x43: {  	[sflag:s17] =	ssyncset.done $0x0  }
0x44: {  	[sflag:s17] =	ssyncadd.s32 $0xFFFFD8F0  }
0x45: {  	_ =	swait.ge [sflag:s17], $0x2710  }
0x46: {  	[sflag:s17] =	ssyncset.done $0x0  }
0x47: {  	[sflag:s17] =	ssyncadd.s32 $0xFFFFD8F0  }
0x48: {  	_ =	swait.ge [sflag:s17], $0x2800  }
0x49: {  	[sflag:s17] =	ssyncset.done $0x0  }
0x4a: {  	[sflag:s17] =	ssyncadd.s32 $0xFFFFD800  }
0x4b: {  	_ =	swait.ge [sflag:s17], $0x2800  }
0x4c: {  	[sflag:s17] =	ssyncset.done $0x0  }
0x4d: {  	[sflag:s17] =	ssyncadd.s32 $0xFFFFD800  }
0x4e: {  	[spmem:s9] =	stream.linear.scatter [tilespmem:s18], [sflag:$0x1], $0x280, $0x38;
	[tilespmem:$0xC680] =	vst v63  }
0x4f: {  	_ =	swait.ge [sflag:s17], $0x280  }
0x50: {  	[sflag:s17] =	ssyncset.done $0x0  }
0x51: {  	[sflag:s17] =	ssyncadd.s32 $0xFFFFFD80  }
0x52: {  	[spmem:s10] =	stream.linear.scatter [tilespmem:s18], [sflag:$0x1], $0x280, $0x38;
	[tilespmem:$0xC680] =	vst v63  }
0x53: {  	_ =	swait.ge [sflag:s17], $0x280  }
0x54: {  	[sflag:s17] =	ssyncset.done $0x0  }
0x55: {  	[sflag:s17] =	ssyncadd.s32 $0xFFFFFD80  }
0x56: {  	s1 =	simm.s32 $0x0;
	[bflag:$0x0] =	sbarrier.arrive $0xFFFF  }
0x57: {  	v1 =	vld [tilespmem:s1+$0x0];
	_ =	sdelay $0x7  }
0x58: {  	v2 =	vld.idx.msk [tilespmem:v1+s15+$0x0], $0xffff;
	_ =	sdelay $0x4  }
0x59: {  	[tilespmem:s1+$0x9F00] =	vst v2;
	v2 =	vld [tilespmem:s1+$0x10];
	_ =	sdelay $0x1  }
0x5a: {  	v1 =	vld.idx.msk [tilespmem:v1+s16+$0x0], $0xffff;
	_ =	sdelay $0x4  }
0x5b: {  	[tilespmem:s1+$0xA700] =	vst v1  }
0x5c: {  	v1 =	vld.idx.msk [tilespmem:v2+s15+$0x0], $0xffff;
	_ =	sdelay $0x4  }
0x5d: {  	[tilespmem:s1+$0x9F10] =	vst v1;
	v1 =	vld [tilespmem:s1+$0x20];
	_ =	sdelay $0x1  }
0x5e: {  	v2 =	vld.idx.msk [tilespmem:v2+s16+$0x0], $0xffff;
	_ =	sdelay $0x4  }
0x5f: {  	[tilespmem:s1+$0xA710] =	vst v2  }
0x60: {  	v2 =	vld.idx.msk [tilespmem:v1+s15+$0x0], $0xffff;
	_ =	sdelay $0x4  }
0x61: {  	[tilespmem:s1+$0x9F20] =	vst v2;
	v2 =	vld [tilespmem:s1+$0x30];
	_ =	sdelay $0x1  }
0x62: {  	v1 =	vld.idx.msk [tilespmem:v1+s16+$0x0], $0xffff;
	_ =	sdelay $0x4  }
0x63: {  	[tilespmem:s1+$0xA720] =	vst v1  }
0x64: {  	v1 =	vld.idx.msk [tilespmem:v2+s15+$0x0], $0xffff;
	_ =	sdelay $0x4  }
0x65: {  	[tilespmem:s1+$0x9F30] =	vst v1;
	v1 =	vld [tilespmem:s1+$0x40];
	_ =	sdelay $0x1  }
0x66: {  	v2 =	vld.idx.msk [tilespmem:v2+s16+$0x0], $0xffff;
	_ =	sdelay $0x4  }
0x67: {  	[tilespmem:s1+$0xA730] =	vst v2  }
0x68: {  	v2 =	vld.idx.msk [tilespmem:v1+s15+$0x0], $0xffff;
	_ =	sdelay $0x3  }
0x69: {  	s0 =	simm.s32 $0x280;
	s6 =	simm.s32 $0x50  }
.LBB2_2:
0x6a: {  	p0 =	sne.s32 s0, $0x1E00;
	v3 =	vld [tilespmem:s6+$0x0];
	[tilespmem:s1+$0x9F40] =	vst v2  }
0x6b: {  	v1 =	vld.idx.msk [tilespmem:v1+s16+$0x0], $0xffff;
	_ =	sdelay $0x5  }
0x6c: {  	[tilespmem:s1+$0xA740] =	vst v1;
	s1 =	smov.u32 s6  }
0x6d: {  	v1 =	vld.idx.msk [tilespmem:v3+s15+$0x0], $0xffff;
	_ =	sdelay $0x5  }
0x6e: {  	[tilespmem:s1+$0x9F00] =	vst v1;
	v1 =	vld [tilespmem:s1+$0x10]  }
0x6f: {  	v2 =	vld.idx.msk [tilespmem:v3+s16+$0x0], $0xffff;
	_ =	sdelay $0x5  }
0x70: {  	[tilespmem:s1+$0xA700] =	vst v2  }
0x71: {  	v2 =	vld.idx.msk [tilespmem:v1+s15+$0x0], $0xffff;
	_ =	sdelay $0x5  }
0x72: {  	[tilespmem:s1+$0x9F10] =	vst v2;
	v2 =	vld [tilespmem:s1+$0x20]  }
0x73: {  	v1 =	vld.idx.msk [tilespmem:v1+s16+$0x0], $0xffff;
	_ =	sdelay $0x5  }
0x74: {  	[tilespmem:s1+$0xA710] =	vst v1  }
0x75: {  	v1 =	vld.idx.msk [tilespmem:v2+s15+$0x0], $0xffff;
	_ =	sdelay $0x5  }
0x76: {  	[tilespmem:s1+$0x9F20] =	vst v1;
	v3 =	vld [tilespmem:s1+$0x30]  }
0x77: {  	v1 =	vld.idx.msk [tilespmem:v2+s16+$0x0], $0xffff;
	_ =	sdelay $0x5  }
0x78: {  	[tilespmem:s1+$0xA720] =	vst v1  }
0x79: {  	v1 =	vld.idx.msk [tilespmem:v3+s15+$0x0], $0xffff;
	_ =	sdelay $0x5  }
0x7a: {  	[tilespmem:s1+$0x9F30] =	vst v1;
	v1 =	vld [tilespmem:s1+$0x40]  }
0x7b: {  	v2 =	vld.idx.msk [tilespmem:v3+s16+$0x0], $0xffff;
	_ =	sdelay $0x5  }
0x7c: {  	[tilespmem:s1+$0xA730] =	vst v2  }
0x7d: {  	v2 =	vld.idx.msk [tilespmem:v1+s15+$0x0], $0xffff  }
.Ltmp0:
0x7e: {  	(pc) =	sbr.rel @p0 .LBB2_2-.Ltmp0, $2  }
0x7f: {  	_ =	sdelay $0x2  }
0x80: {  	s6 =	sshra.s32 s0, $0x2;
	s0 =	sadd.s32 $0x140, s0  }
0x81: {  	_ =	sdelay $0x1  }
0x82: {  	v3 =	vld [tilespmem:s6+$0x0]  }
0x83: {  	[tilespmem:s1+$0x9F40] =	vst v2  }
0x84: {  	v1 =	vld.idx.msk [tilespmem:v1+s16+$0x0], $0xffff;
	_ =	sdelay $0x4  }
0x85: {  	[tilespmem:s1+$0xA740] =	vst v1  }
0x86: {  	v1 =	vld.idx.msk [tilespmem:v3+s15+$0x0], $0xffff;
	_ =	sdelay $0x4  }
0x87: {  	[tilespmem:s6+$0x9F00] =	vst v1;
	v1 =	vld [tilespmem:s6+$0x10];
	_ =	sdelay $0x1  }
0x88: {  	v2 =	vld.idx.msk [tilespmem:v3+s16+$0x0], $0xffff;
	_ =	sdelay $0x4  }
0x89: {  	[tilespmem:s6+$0xA700] =	vst v2  }
0x8a: {  	v2 =	vld.idx.msk [tilespmem:v1+s15+$0x0], $0xffff;
	_ =	sdelay $0x4  }
0x8b: {  	[tilespmem:s6+$0x9F10] =	vst v2;
	v2 =	vld [tilespmem:s6+$0x20];
	_ =	sdelay $0x1  }
0x8c: {  	v1 =	vld.idx.msk [tilespmem:v1+s16+$0x0], $0xffff;
	_ =	sdelay $0x4  }
0x8d: {  	[tilespmem:s6+$0xA710] =	vst v1  }
0x8e: {  	v1 =	vld.idx.msk [tilespmem:v2+s15+$0x0], $0xffff;
	_ =	sdelay $0x4  }
0x8f: {  	[tilespmem:s6+$0x9F20] =	vst v1;
	v1 =	vld [tilespmem:s6+$0x30];
	_ =	sdelay $0x1  }
0x90: {  	v2 =	vld.idx.msk [tilespmem:v2+s16+$0x0], $0xffff;
	_ =	sdelay $0x4  }
0x91: {  	[tilespmem:s6+$0xA720] =	vst v2  }
0x92: {  	v2 =	vld.idx.msk [tilespmem:v1+s15+$0x0], $0xffff;
	_ =	sdelay $0x4  }
0x93: {  	[tilespmem:s6+$0x9F30] =	vst v2;
	v2 =	vld [tilespmem:s6+$0x40];
	_ =	sdelay $0x1  }
0x94: {  	v1 =	vld.idx.msk [tilespmem:v1+s16+$0x0], $0xffff;
	_ =	sdelay $0x4  }
0x95: {  	[tilespmem:s6+$0xA730] =	vst v1  }
0x96: {  	v1 =	vld.idx.msk [tilespmem:v2+s15+$0x0], $0xffff;
	_ =	sdelay $0x4  }
0x97: {  	[tilespmem:s6+$0x9F40] =	vst v1  }
0x98: {  	v1 =	vld.idx.msk [tilespmem:v2+s16+$0x0], $0xffff;
	_ =	sdelay $0x4  }
0x99: {  	s0 =	simm.s32 $0x0;
	[tilespmem:s6+$0xA740] =	vst v1  }
0x9a: {  	[spmem:s3] =	stream.indirect.scatter.add.f32 [tilespmem:s20], [sflag:$0x1], $0x1, s14, s19, $0xb8;
	[tilespmem:$0xC680] =	vst v63  }
0x9b: {  	s7 =	simm.s32 $0x810;
	s1 =	simm.s32 $0xAF20;
	s6 =	simm.s32 $0xB720  }
0x9c: {  	[spmem:s4] =	stream.indirect.scatter.add.f32 [tilespmem:s21], [sflag:$0x2], $0x1, s14, s19, $0xb8;
	[tilespmem:$0xC680] =	vst v63  }
.LBB2_4:
0x9d: {  	v1 =	vld [tilespmem:s7+$0xFFFFFFC0];
	_ =	sdelay $0x7  }
0x9e: {  	v2 =	vld.idx.msk [tilespmem:v1+s15+$0x0], $0xffff;
	_ =	sdelay $0x4  }
0x9f: {  	[tilespmem:s1+$0xFFFFFFE0] =	vst v2  }
0xa0: {  	v1 =	vld.idx.msk [tilespmem:v1+s16+$0x0], $0xffff;
	_ =	sdelay $0x4  }
0xa1: {  	[tilespmem:s6+$0xFFFFFFE0] =	vst v1  }
0xa2: {  	v1 =	vld [tilespmem:s7+$0xFFFFFFD0];
	_ =	sdelay $0x7  }
0xa3: {  	v2 =	vld.idx.msk [tilespmem:v1+s15+$0x0], $0xffff;
	_ =	sdelay $0x4  }
0xa4: {  	[tilespmem:s1+$0xFFFFFFF0] =	vst v2  }
0xa5: {  	v1 =	vld.idx.msk [tilespmem:v1+s16+$0x0], $0xffff;
	_ =	sdelay $0x4  }
0xa6: {  	[tilespmem:s6+$0xFFFFFFF0] =	vst v1  }
0xa7: {  	v1 =	vld [tilespmem:s7+$0xFFFFFFE0];
	_ =	sdelay $0x7  }
0xa8: {  	v2 =	vld.idx.msk [tilespmem:v1+s15+$0x0], $0xffff;
	_ =	sdelay $0x4  }
0xa9: {  	[tilespmem:s1+$0x0] =	vst v2  }
0xaa: {  	v1 =	vld.idx.msk [tilespmem:v1+s16+$0x0], $0xffff;
	_ =	sdelay $0x4  }
0xab: {  	s8 =	sand.u32 $0xFF0, s0;
	[tilespmem:s6+$0x0] =	vst v1  }
0xac: {  	v1 =	vld [tilespmem:s8+$0x800];
	_ =	sdelay $0x7  }
0xad: {  	v2 =	vld.idx.msk [tilespmem:v1+s15+$0x0], $0xffff;
	_ =	sdelay $0x4  }
0xae: {  	[tilespmem:s1+$0x10] =	vst v2  }
0xaf: {  	v1 =	vld.idx.msk [tilespmem:v1+s16+$0x0], $0xffff;
	_ =	sdelay $0x4  }
0xb0: {  	[tilespmem:s6+$0x10] =	vst v1  }
0xb1: {  	v1 =	vld [tilespmem:s7+$0x0];
	_ =	sdelay $0x7  }
0xb2: {  	v2 =	vld.idx.msk [tilespmem:v1+s15+$0x0], $0xffff;
	_ =	sdelay $0x4  }
0xb3: {  	[tilespmem:s1+$0x20] =	vst v2  }
0xb4: {  	p0 =	sne.s32 s0, $0x780;
	v1 =	vld.idx.msk [tilespmem:v1+s16+$0x0], $0xffff  }
.Ltmp1:
0xb5: {  	_ = 	snop;
	(pc) =	sbr.rel @p0 .LBB2_4-.Ltmp1, $3  }
0xb6: {  	_ =	sdelay $0x1  }
0xb7: {  	s0 =	sadd.s32 $0x50, s0  }
0xb8: {  	s7 =	sadd.s32 $0x50, s7;
	s1 =	sadd.s32 $0x50, s1;
	[tilespmem:s6+$0x20] =	vst v1;
	s6 =	sadd.s32 $0x50, s6  }
0xb9: {  	[spmem:s3] =	stream.indirect.scatter.add.f32 [tilespmem:s23], [sflag:$0x3], $0x1, s22, s19, $0xb8;
	[tilespmem:$0xC680] =	vst v63  }
0xba: {  	_ = 	snop  }
0xbb: {  	[spmem:s4] =	stream.indirect.scatter.add.f32 [tilespmem:s24], [sflag:$0x4], $0x1, s22, s19, $0xb8;
	[tilespmem:$0xC680] =	vst v63  }
0xbc: {  	_ =	swait.ge [sflag:s17], $0x7D0  }
0xbd: {  	[sflag:s17] =	ssyncset.done $0x0  }
0xbe: {  	[sflag:s17] =	ssyncadd.s32 $0xFFFFF830  }
0xbf: {  	_ =	swait.ge [sflag:s25], $0x7D0  }
0xc0: {  	[sflag:s25] =	ssyncset.done $0x0  }
0xc1: {  	s1 =	simm.s32 $0x0;
	[sflag:s25] =	ssyncadd.s32 $0xFFFFF830  }
0xc2: {  	v1 =	vld [tilespmem:s1+$0xFA0];
	_ =	sdelay $0x7  }
0xc3: {  	v2 =	vld.idx.msk [tilespmem:v1+s15+$0x0], $0xffff;
	_ =	sdelay $0x4  }
0xc4: {  	[tilespmem:s1+$0x9F00] =	vst v2;
	v2 =	vld [tilespmem:s1+$0xFB0];
	_ =	sdelay $0x1  }
0xc5: {  	v1 =	vld.idx.msk [tilespmem:v1+s16+$0x0], $0xffff;
	_ =	sdelay $0x4  }
0xc6: {  	[tilespmem:s1+$0xA700] =	vst v1  }
0xc7: {  	v1 =	vld.idx.msk [tilespmem:v2+s15+$0x0], $0xffff;
	_ =	sdelay $0x4  }
0xc8: {  	[tilespmem:s1+$0x9F10] =	vst v1;
	v1 =	vld [tilespmem:s1+$0xFC0];
	_ =	sdelay $0x1  }
0xc9: {  	v2 =	vld.idx.msk [tilespmem:v2+s16+$0x0], $0xffff;
	_ =	sdelay $0x4  }
0xca: {  	[tilespmem:s1+$0xA710] =	vst v2  }
0xcb: {  	v2 =	vld.idx.msk [tilespmem:v1+s15+$0x0], $0xffff;
	_ =	sdelay $0x4  }
0xcc: {  	[tilespmem:s1+$0x9F20] =	vst v2;
	v2 =	vld [tilespmem:s1+$0xFD0];
	_ =	sdelay $0x1  }
0xcd: {  	v1 =	vld.idx.msk [tilespmem:v1+s16+$0x0], $0xffff;
	_ =	sdelay $0x4  }
0xce: {  	[tilespmem:s1+$0xA720] =	vst v1  }
0xcf: {  	v1 =	vld.idx.msk [tilespmem:v2+s15+$0x0], $0xffff;
	_ =	sdelay $0x4  }
0xd0: {  	[tilespmem:s1+$0x9F30] =	vst v1;
	v1 =	vld [tilespmem:s1+$0xFE0];
	_ =	sdelay $0x1  }
0xd1: {  	v2 =	vld.idx.msk [tilespmem:v2+s16+$0x0], $0xffff;
	_ =	sdelay $0x4  }
0xd2: {  	[tilespmem:s1+$0xA730] =	vst v2  }
0xd3: {  	v2 =	vld.idx.msk [tilespmem:v1+s15+$0x0], $0xffff;
	_ =	sdelay $0x3  }
0xd4: {  	s6 =	simm.s32 $0x50;
	s0 =	simm.s32 $0x280  }
.LBB2_6:
0xd5: {  	p0 =	sne.s32 s0, $0x1E00;
	v3 =	vld [tilespmem:s6+$0xFA0];
	[tilespmem:s1+$0x9F40] =	vst v2  }
0xd6: {  	v1 =	vld.idx.msk [tilespmem:v1+s16+$0x0], $0xffff;
	_ =	sdelay $0x5  }
0xd7: {  	[tilespmem:s1+$0xA740] =	vst v1;
	s1 =	smov.u32 s6  }
0xd8: {  	v1 =	vld.idx.msk [tilespmem:v3+s15+$0x0], $0xffff;
	_ =	sdelay $0x5  }
0xd9: {  	[tilespmem:s1+$0x9F00] =	vst v1;
	v1 =	vld [tilespmem:s1+$0xFB0]  }
0xda: {  	v2 =	vld.idx.msk [tilespmem:v3+s16+$0x0], $0xffff;
	_ =	sdelay $0x5  }
0xdb: {  	[tilespmem:s1+$0xA700] =	vst v2  }
0xdc: {  	v2 =	vld.idx.msk [tilespmem:v1+s15+$0x0], $0xffff;
	_ =	sdelay $0x5  }
0xdd: {  	[tilespmem:s1+$0x9F10] =	vst v2;
	v2 =	vld [tilespmem:s1+$0xFC0]  }
0xde: {  	v1 =	vld.idx.msk [tilespmem:v1+s16+$0x0], $0xffff;
	_ =	sdelay $0x5  }
0xdf: {  	[tilespmem:s1+$0xA710] =	vst v1  }
0xe0: {  	v1 =	vld.idx.msk [tilespmem:v2+s15+$0x0], $0xffff;
	_ =	sdelay $0x5  }
0xe1: {  	[tilespmem:s1+$0x9F20] =	vst v1;
	v3 =	vld [tilespmem:s1+$0xFD0]  }
0xe2: {  	v1 =	vld.idx.msk [tilespmem:v2+s16+$0x0], $0xffff;
	_ =	sdelay $0x5  }
0xe3: {  	[tilespmem:s1+$0xA720] =	vst v1  }
0xe4: {  	v1 =	vld.idx.msk [tilespmem:v3+s15+$0x0], $0xffff;
	_ =	sdelay $0x5  }
0xe5: {  	[tilespmem:s1+$0x9F30] =	vst v1;
	v1 =	vld [tilespmem:s1+$0xFE0]  }
0xe6: {  	v2 =	vld.idx.msk [tilespmem:v3+s16+$0x0], $0xffff;
	_ =	sdelay $0x5  }
0xe7: {  	[tilespmem:s1+$0xA730] =	vst v2  }
0xe8: {  	v2 =	vld.idx.msk [tilespmem:v1+s15+$0x0], $0xffff  }
.Ltmp2:
0xe9: {  	(pc) =	sbr.rel @p0 .LBB2_6-.Ltmp2, $2  }
0xea: {  	_ =	sdelay $0x2  }
0xeb: {  	s6 =	sshra.s32 s0, $0x2;
	s0 =	sadd.s32 $0x140, s0  }
0xec: {  	_ =	sdelay $0x1  }
0xed: {  	v3 =	vld [tilespmem:s6+$0xFA0]  }
0xee: {  	[tilespmem:s1+$0x9F40] =	vst v2  }
0xef: {  	v1 =	vld.idx.msk [tilespmem:v1+s16+$0x0], $0xffff;
	_ =	sdelay $0x4  }
0xf0: {  	[tilespmem:s1+$0xA740] =	vst v1  }
0xf1: {  	v1 =	vld.idx.msk [tilespmem:v3+s15+$0x0], $0xffff;
	_ =	sdelay $0x4  }
0xf2: {  	[tilespmem:s6+$0x9F00] =	vst v1;
	v1 =	vld [tilespmem:s6+$0xFB0];
	_ =	sdelay $0x1  }
0xf3: {  	v2 =	vld.idx.msk [tilespmem:v3+s16+$0x0], $0xffff;
	_ =	sdelay $0x4  }
0xf4: {  	[tilespmem:s6+$0xA700] =	vst v2  }
0xf5: {  	v2 =	vld.idx.msk [tilespmem:v1+s15+$0x0], $0xffff;
	_ =	sdelay $0x4  }
0xf6: {  	[tilespmem:s6+$0x9F10] =	vst v2;
	v2 =	vld [tilespmem:s6+$0xFC0];
	_ =	sdelay $0x1  }
0xf7: {  	v1 =	vld.idx.msk [tilespmem:v1+s16+$0x0], $0xffff;
	_ =	sdelay $0x4  }
0xf8: {  	[tilespmem:s6+$0xA710] =	vst v1  }
0xf9: {  	v1 =	vld.idx.msk [tilespmem:v2+s15+$0x0], $0xffff;
	_ =	sdelay $0x4  }
0xfa: {  	[tilespmem:s6+$0x9F20] =	vst v1;
	v1 =	vld [tilespmem:s6+$0xFD0];
	_ =	sdelay $0x1  }
0xfb: {  	v2 =	vld.idx.msk [tilespmem:v2+s16+$0x0], $0xffff;
	_ =	sdelay $0x4  }
0xfc: {  	[tilespmem:s6+$0xA720] =	vst v2  }
0xfd: {  	v2 =	vld.idx.msk [tilespmem:v1+s15+$0x0], $0xffff;
	_ =	sdelay $0x4  }
0xfe: {  	[tilespmem:s6+$0x9F30] =	vst v2;
	v2 =	vld [tilespmem:s6+$0xFE0];
	_ =	sdelay $0x1  }
0xff: {  	v1 =	vld.idx.msk [tilespmem:v1+s16+$0x0], $0xffff;
	_ =	sdelay $0x4  }
0x100: {  	[tilespmem:s6+$0xA730] =	vst v1  }
0x101: {  	v1 =	vld.idx.msk [tilespmem:v2+s15+$0x0], $0xffff;
	_ =	sdelay $0x4  }
0x102: {  	[tilespmem:s6+$0x9F40] =	vst v1  }
0x103: {  	v1 =	vld.idx.msk [tilespmem:v2+s16+$0x0], $0xffff;
	_ =	sdelay $0x4  }
0x104: {  	[tilespmem:s6+$0xA740] =	vst v1  }
0x105: {  	[spmem:s3] =	stream.indirect.scatter.add.f32 [tilespmem:s20], [sflag:$0x1], $0x1, s26, s19, $0xb8;
	[tilespmem:$0xC680] =	vst v63  }
0x106: {  	_ = 	snop  }
0x107: {  	[spmem:s4] =	stream.indirect.scatter.add.f32 [tilespmem:s21], [sflag:$0x2], $0x1, s26, s19, $0xb8;
	[tilespmem:$0xC680] =	vst v63  }
0x108: {  	_ =	swait.ge [sflag:s28], $0x7D0  }
0x109: {  	[sflag:s28] =	ssyncset.done $0x0  }
0x10a: {  	[sflag:s28] =	ssyncadd.s32 $0xFFFFF830  }
0x10b: {  	_ =	swait.ge [sflag:s29], $0x7D0  }
0x10c: {  	s0 =	simm.s32 $0x0;
	s7 =	simm.s32 $0x17B0;
	[sflag:s29] =	ssyncset.done $0x0  }
0x10d: {  	s1 =	simm.s32 $0xAF20;
	s6 =	simm.s32 $0xB720;
	[sflag:s29] =	ssyncadd.s32 $0xFFFFF830  }
.LBB2_8:
0x10e: {  	v1 =	vld [tilespmem:s7+$0xFFFFFFC0];
	_ =	sdelay $0x7  }
0x10f: {  	v2 =	vld.idx.msk [tilespmem:v1+s15+$0x0], $0xffff;
	_ =	sdelay $0x4  }
0x110: {  	[tilespmem:s1+$0xFFFFFFE0] =	vst v2  }
0x111: {  	v1 =	vld.idx.msk [tilespmem:v1+s16+$0x0], $0xffff;
	_ =	sdelay $0x4  }
0x112: {  	s8 =	sand.u32 $0xFF0, s0;
	[tilespmem:s6+$0xFFFFFFE0] =	vst v1  }
0x113: {  	v1 =	vld [tilespmem:s8+$0x1780];
	_ =	sdelay $0x7  }
0x114: {  	v2 =	vld.idx.msk [tilespmem:v1+s15+$0x0], $0xffff;
	_ =	sdelay $0x4  }
0x115: {  	[tilespmem:s1+$0xFFFFFFF0] =	vst v2  }
0x116: {  	v1 =	vld.idx.msk [tilespmem:v1+s16+$0x0], $0xffff;
	_ =	sdelay $0x4  }
0x117: {  	[tilespmem:s6+$0xFFFFFFF0] =	vst v1  }
0x118: {  	v1 =	vld [tilespmem:s7+$0xFFFFFFE0];
	_ =	sdelay $0x7  }
0x119: {  	v2 =	vld.idx.msk [tilespmem:v1+s15+$0x0], $0xffff;
	_ =	sdelay $0x4  }
0x11a: {  	[tilespmem:s1+$0x0] =	vst v2  }
0x11b: {  	v1 =	vld.idx.msk [tilespmem:v1+s16+$0x0], $0xffff;
	_ =	sdelay $0x4  }
0x11c: {  	[tilespmem:s6+$0x0] =	vst v1  }
0x11d: {  	v1 =	vld [tilespmem:s7+$0xFFFFFFF0];
	_ =	sdelay $0x7  }
0x11e: {  	v2 =	vld.idx.msk [tilespmem:v1+s15+$0x0], $0xffff;
	_ =	sdelay $0x4  }
0x11f: {  	[tilespmem:s1+$0x10] =	vst v2  }
0x120: {  	v1 =	vld.idx.msk [tilespmem:v1+s16+$0x0], $0xffff;
	_ =	sdelay $0x4  }
0x121: {  	[tilespmem:s6+$0x10] =	vst v1  }
0x122: {  	v1 =	vld [tilespmem:s7+$0x0];
	_ =	sdelay $0x7  }
0x123: {  	v2 =	vld.idx.msk [tilespmem:v1+s15+$0x0], $0xffff;
	_ =	sdelay $0x4  }
0x124: {  	[tilespmem:s1+$0x20] =	vst v2  }
0x125: {  	p0 =	sne.s32 s0, $0x780;
	v1 =	vld.idx.msk [tilespmem:v1+s16+$0x0], $0xffff  }
.Ltmp3:
0x126: {  	_ = 	snop;
	(pc) =	sbr.rel @p0 .LBB2_8-.Ltmp3, $3  }
0x127: {  	_ =	sdelay $0x1  }
0x128: {  	s0 =	sadd.s32 $0x50, s0  }
0x129: {  	s7 =	sadd.s32 $0x50, s7;
	s1 =	sadd.s32 $0x50, s1;
	[tilespmem:s6+$0x20] =	vst v1;
	s6 =	sadd.s32 $0x50, s6  }
0x12a: {  	[spmem:s3] =	stream.indirect.scatter.add.f32 [tilespmem:s23], [sflag:$0x3], $0x1, s30, s19, $0xb8;
	[tilespmem:$0xC680] =	vst v63  }
0x12b: {  	_ = 	snop  }
0x12c: {  	[spmem:s4] =	stream.indirect.scatter.add.f32 [tilespmem:s24], [sflag:$0x4], $0x1, s30, s19, $0xb8;
	[tilespmem:$0xC680] =	vst v63  }
0x12d: {  	_ =	swait.ge [sflag:s17], $0x7D0  }
0x12e: {  	[sflag:s17] =	ssyncset.done $0x0  }
0x12f: {  	[sflag:s17] =	ssyncadd.s32 $0xFFFFF830  }
0x130: {  	_ =	swait.ge [sflag:s25], $0x7D0  }
0x131: {  	s0 =	simm.s32 $0x0;
	s1 =	simm.s32 $0x9F20;
	[sflag:s25] =	ssyncset.done $0x0  }
0x132: {  	s6 =	simm.s32 $0xA720;
	s7 =	simm.s32 $0x1F70;
	[sflag:s25] =	ssyncadd.s32 $0xFFFFF830  }
.LBB2_10:
0x133: {  	v1 =	vld [tilespmem:s7+$0xFFFFFFD0];
	_ =	sdelay $0x7  }
0x134: {  	v2 =	vld.idx.msk [tilespmem:v1+s15+$0x0], $0xffff;
	_ =	sdelay $0x4  }
0x135: {  	[tilespmem:s1+$0xFFFFFFE0] =	vst v2  }
0x136: {  	v1 =	vld.idx.msk [tilespmem:v1+s16+$0x0], $0xffff;
	_ =	sdelay $0x4  }
0x137: {  	[tilespmem:s6+$0xFFFFFFE0] =	vst v1  }
0x138: {  	v1 =	vld [tilespmem:s7+$0xFFFFFFE0];
	_ =	sdelay $0x7  }
0x139: {  	v2 =	vld.idx.msk [tilespmem:v1+s15+$0x0], $0xffff;
	_ =	sdelay $0x4  }
0x13a: {  	[tilespmem:s1+$0xFFFFFFF0] =	vst v2  }
0x13b: {  	v1 =	vld.idx.msk [tilespmem:v1+s16+$0x0], $0xffff;
	_ =	sdelay $0x4  }
0x13c: {  	[tilespmem:s6+$0xFFFFFFF0] =	vst v1  }
0x13d: {  	v1 =	vld [tilespmem:s7+$0xFFFFFFF0];
	_ =	sdelay $0x7  }
0x13e: {  	v2 =	vld.idx.msk [tilespmem:v1+s15+$0x0], $0xffff;
	_ =	sdelay $0x4  }
0x13f: {  	[tilespmem:s1+$0x0] =	vst v2  }
0x140: {  	v1 =	vld.idx.msk [tilespmem:v1+s16+$0x0], $0xffff;
	_ =	sdelay $0x4  }
0x141: {  	[tilespmem:s6+$0x0] =	vst v1  }
0x142: {  	v1 =	vld [tilespmem:s7+$0x0];
	_ =	sdelay $0x7  }
0x143: {  	v2 =	vld.idx.msk [tilespmem:v1+s15+$0x0], $0xffff;
	_ =	sdelay $0x4  }
0x144: {  	[tilespmem:s1+$0x10] =	vst v2  }
0x145: {  	v1 =	vld.idx.msk [tilespmem:v1+s16+$0x0], $0xffff;
	_ =	sdelay $0x4  }
0x146: {  	s8 =	sand.u32 $0xFF0, s0;
	[tilespmem:s6+$0x10] =	vst v1  }
0x147: {  	v1 =	vld [tilespmem:s8+$0x1F80];
	_ =	sdelay $0x7  }
0x148: {  	v2 =	vld.idx.msk [tilespmem:v1+s15+$0x0], $0xffff;
	_ =	sdelay $0x4  }
0x149: {  	[tilespmem:s1+$0x20] =	vst v2  }
0x14a: {  	p0 =	sne.s32 s0, $0x780;
	v1 =	vld.idx.msk [tilespmem:v1+s16+$0x0], $0xffff  }
.Ltmp4:
0x14b: {  	_ = 	snop;
	(pc) =	sbr.rel @p0 .LBB2_10-.Ltmp4, $3  }
0x14c: {  	_ =	sdelay $0x1  }
0x14d: {  	s0 =	sadd.s32 $0x50, s0  }
0x14e: {  	s7 =	sadd.s32 $0x50, s7;
	s1 =	sadd.s32 $0x50, s1;
	[tilespmem:s6+$0x20] =	vst v1;
	s6 =	sadd.s32 $0x50, s6  }
0x14f: {  	[spmem:s3] =	stream.indirect.scatter.add.f32 [tilespmem:s20], [sflag:$0x1], $0x1, s31, s19, $0xb8;
	[tilespmem:$0xC680] =	vst v63  }
0x150: {  	_ = 	snop  }
0x151: {  	[spmem:s4] =	stream.indirect.scatter.add.f32 [tilespmem:s21], [sflag:$0x2], $0x1, s31, s19, $0xb8;
	[tilespmem:$0xC680] =	vst v63  }
0x152: {  	_ =	swait.ge [sflag:s17], $0x7D0  }
0x153: {  	[sflag:s17] =	ssyncset.done $0x0  }
0x154: {  	[sflag:s17] =	ssyncadd.s32 $0xFFFFF830  }
0x155: {  	_ =	swait.ge [sflag:s25], $0x7D0  }
0x156: {  	[sflag:s25] =	ssyncset.done $0x0  }
0x157: {  	[sflag:s25] =	ssyncadd.s32 $0xFFFFF830  }
0x158: {  	_ =	swait.ge [sflag:s28], $0x7D0  }
0x159: {  	[sflag:s28] =	ssyncset.done $0x0  }
0x15a: {  	[sflag:s28] =	ssyncadd.s32 $0xFFFFF830  }
0x15b: {  	_ =	swait.ge [sflag:s29], $0x7D0  }
0x15c: {  	s0 =	stileid.u32;
	s1 =	sshrl.u32 s9, $0x3;
	[sflag:s29] =	ssyncset.done $0x0  }
0x15d: {  	s8 =	sshrl.u32 s10, $0x3;
	s0 =	sshll.u32 s0, $0x6;
	[sflag:s29] =	ssyncadd.s32 $0xFFFFF830  }
0x15e: {  	s2 =	sadd.s32 $0x1, s2;
	s0 =	sor.u32 $0x1C01, s0;
	[bflag:$0x0] =	sbarrier.arrive $0xFFFF  }
0x15f: {  	[hbm:s11], [sflag:s0] =	dma.local [spmem:s1], $0x50  }
0x160: {  	[hbm:s12], [sflag:s0] =	dma.local [spmem:s8], $0x50  }
0x161: {  	p0 =	sne.s32 s2, s13;
	_ =	swait.ge [sflag:s17], $0x50  }
.Ltmp5:
0x162: {  	[sflag:s17] =	ssyncset.done $0x0;
	(pc) =	sbr.rel @p0 .LBB2_1-.Ltmp5, $4  }
0x163: {  	[sflag:s17] =	ssyncadd.s32 $0xFFFFFFB0  }
0x164: {  	_ =	swait.ge [sflag:s17], $0x50  }
0x165: {  	[sflag:s17] =	ssyncset.done $0x0  }
0x166: {  	[sflag:s17] =	ssyncadd.s32 $0xFFFFFFB0  }
0x167: {  	_ =	sfence.sel $0x180000  }
0x168: {  	[bflag:$0x0] =	sbarrier.arrive $0xFFFF  }
0x169: {  	_ =	strace $0x9000004A  }
0x16a: {  	s0 =	stileid.u32;
	[bflag:$0x2] =	sbarrier.arrive $0xFFFF  }
0x16b: {  	p0 =	sne.s32 s0, $0x0;
	s0 =	rddreg [dreg:$0x4]  }
0x16c: {  	s0 =	sadd.s32 @!p0 $0x100000, s0  }
0x16d: {  	[sflag:s0] =	ssyncadd.tile.s32 @!p0 $0x1;
	_ =	shalt  }
.Lfunc_end2:
_tile_overlayer_lowered:
.L_overlay_start_2:
0x16e: {  	(tag) =	ssettag $0x2  }
0x16f: {  	s0 =	rddreg [dreg:$0x0];
	s2 =	stileid.u32  }
0x170: {  	s1 =	rddreg [dreg:$0x1];
	p0 =	sne.s32 s2, $0x0  }
0x171: {  	s3 =	rddreg [dreg:$0x2];
	[bflag:$0x3] =	sbarrier.arrive $0xFFFF;
	s2 =	simm.s32 @!p0 $0x1C01  }
0x172: {  	[timem:s3], [sflag:s2] =	dma.local @!p0 [hbm:s0], s1  }
0x173: {  	s0 =	simm.s32 @!p0 $0x1  }
0x174: {  	_ =	swait.ge @!p0 [sflag:s0], s1  }
0x175: {  	s1 =	ssub.s32 @!p0 $0x0, s1;
	[sflag:s0] =	ssyncset.done @!p0 $0x0  }
0x176: {  	[sflag:s0] =	ssyncadd.s32 @!p0 s1  }
0x177: {  	[bflag:$0x3] =	sbarrier.arrive $0xFFFF  }
0x178: {  	_ =	shalt  }

// kernel: kernel.7.cloned.1.call-start
scs
__scs_entry_jumppad:
0x0: {  	(pc) =	sbr.rel $0x88, $3  }
0x1: {  	(tag) =	ssettag $0x0;
	lr =	simm.s32 $0x1  }
0x2: {  	[smem:$0x3F9D] =	sst lr;
	_ =	strace $0xD0000000  }
0x3: {  	_ = 	snop  }
0x4: {  	_ = 	snop  }
0x5: {  	_ = 	snop  }
0x6: {  	_ = 	snop  }
0x7: {  	_ = 	snop  }
__scs_overlays_trampoline_lowered:
0x8: {  	[smem:$0x3FAC] =	sst s0  }
0x9: {  	[smem:$0x3FAD] =	sst s1  }
0xa: {  	[smem:$0x3FAE] =	sst s2  }
0xb: {  	[smem:$0x3FAF] =	sst s3  }
0xc: {  	[smem:$0x3FB0] =	sst s4  }
0xd: {  	[smem:$0x3FB1] =	sst s5  }
0xe: {  	[smem:$0x3FB2] =	sst s6  }
0xf: {  	[smem:$0x3FB3] =	sst s7  }
0x10: {  	[smem:$0x3FB4] =	sst s8  }
0x11: {  	[smem:$0x3FB5] =	sst s9;
	s0 =	simm.s32 @!p0 $0x0  }
0x12: {  	s1 =	sld [smem:$0x3F9B];
	s0 =	simm.s32 @p0 $0x1  }
0x13: {  	[smem:$0x3FB6] =	sst s0;
	s0 =	simm.s32 @!p1 $0x0  }
0x14: {  	s2 =	sld [smem:$0x3F9A];
	s0 =	simm.s32 @p1 $0x1  }
0x15: {  	[smem:$0x3FB7] =	sst s0;
	s0 =	simm.s32 @!p2 $0x0  }
0x16: {  	s3 =	sld [smem:$0x3FDB];
	s0 =	simm.s32 @p2 $0x1  }
0x17: {  	s4 =	simm.s32 $0x1BF5;
	[smem:$0x3FB9] =	sst s0  }
0x18: {  	s0 =	sld [smem:$0x3F9C];
	_ =	swait.ge [sflag:s4], $0x0  }
0x19: {  	s7 =	sld [smem:$0x3F9D]  }
0x1a: {  	s8 =	sadd.s32 $0xFFFFE003, lr  }
0x1b: {  	s9 =	sadd.s32 $0xFFFFFEF7, lr;
	s5 =	simm.s32 $0xFFFFFFFF;
	p2 =	slt.u32 s8, $0xFFFFF086  }
0x1c: {  	p1 =	slt.u32 s9, $0xF7A;
	s5 =	simm.s32 @!p2 $0x0  }
0x1d: {  	s5 =	simm.s32 @p1 $0x1;
	p0 =	seq.s32 s7, s2  }
0x1e: {  	s7 =	smul.u32 @!p0 $0xF7A, s2;
	p2 =	seq.s32 @!p0 s5, $0x0  }
0x1f: {  	s9 =	smul.u32 $0xF7A, s1;
	s8 =	simm.s32 @!p0 $0x1BF5;
	p2 =	por !p2, p0  }
0x20: {  	[sflag:s8] =	ssyncset.s32 @!p0 $0xFFFFF086;
	s6 =	sadd.s32 @!p0 s3, s7;
	s7 =	simm.s32 @!p0 $0x108  }
0x21: {  	s3 =	sadd.s32 s3, s9;
	s6 =	sadd.s32 @!p0 $0x88, s6;
	s7 =	simm.s32 @p2 $0x1082  }
0x22: {  	[simem:s7], [sflag:s8] =	dma.local @!p0 [hbm:s6], $0xF7A  }
0x23: {  	s9 =	sor.u32 $0xD0000000, s2;
	s6 =	simm.s32 $0x108;
	_ =	swait.ge @!p0 [sflag:s8], $0x0  }
0x24: {  	s3 =	sadd.s32 $0x88, s3;
	s6 =	simm.s32 @!p1 $0x1082;
	[sflag:s4] =	ssyncset.s32 $0xFFFFF086  }
0x25: {  	[simem:s6], [sflag:s4] =	dma.local [hbm:s3], $0xF7A  }
0x26: {  	[smem:$0x3F9D] =	sst s1;
	(tag) =	ssettag s2;
	_ =	strace s9  }
0x27: {  	s1 =	sld [smem:$0x3FAD]  }
0x28: {  	s2 =	sld [smem:$0x3FAE]  }
0x29: {  	s4 =	sld [smem:$0x3FB0]  }
0x2a: {  	p0 =	seq.s32 s5, $0x0;
	s5 =	sld [smem:$0x3FB1]  }
0x2b: {  	s6 =	sld [smem:$0x3FB2]  }
0x2c: {  	s7 =	sld [smem:$0x3FB3]  }
0x2d: {  	s3 =	simm.s32 $0x108;
	s8 =	sld [smem:$0x3FB4]  }
0x2e: {  	s3 =	simm.s32 @!p0 $0x1082;
	s9 =	sld [smem:$0x3FB5]  }
0x2f: {  	lr =	sadd.s32 s0, s3;
	s0 =	sld [smem:$0x3FAC]  }
0x30: {  	s3 =	sld [smem:$0x3FAF]  }
0x31: {  	[smem:$0x3FB8] =	sst s10  }
0x32: {  	s10 =	sld [smem:$0x3FB6];
	_ =	sdelay $0x3  }
0x33: {  	p0 =	seq.s32 s10, $0x1;
	s10 =	sld [smem:$0x3FB8];
	_ =	sdelay $0x3  }
0x34: {  	[smem:$0x3FB8] =	sst s10  }
0x35: {  	s10 =	sld [smem:$0x3FB7];
	_ =	sdelay $0x3  }
0x36: {  	p1 =	seq.s32 s10, $0x1;
	s10 =	sld [smem:$0x3FB8];
	_ =	sdelay $0x3  }
0x37: {  	[smem:$0x3FB8] =	sst s10  }
0x38: {  	s10 =	sld [smem:$0x3FB9]  }
0x39: {  	_ = 	snop;
	(pc) =	sbr.ind lr, $3  }
0x3a: {  	_ = 	snop  }
0x3b: {  	_ = 	snop  }
0x3c: {  	p2 =	seq.s32 s10, $0x1;
	s10 =	sld [smem:$0x3FB8]  }
0x3d: {  	_ =	shalt  }
0x3e: {  	_ =	shalt  }
0x3f: {  	_ =	shalt  }
0x40: {  	_ =	shalt  }
0x41: {  	_ =	shalt  }
0x42: {  	_ =	shalt  }
0x43: {  	_ =	shalt  }
0x44: {  	_ =	shalt  }
0x45: {  	_ =	shalt  }
0x46: {  	_ =	shalt  }
0x47: {  	_ =	shalt  }
0x48: {  	_ =	shalt  }
0x49: {  	_ =	shalt  }
0x4a: {  	_ =	shalt  }
0x4b: {  	_ =	shalt  }
0x4c: {  	_ =	shalt  }
0x4d: {  	_ =	shalt  }
0x4e: {  	_ =	shalt  }
0x4f: {  	_ =	shalt  }
0x50: {  	_ =	shalt  }
0x51: {  	_ =	shalt  }
0x52: {  	_ =	shalt  }
0x53: {  	_ =	shalt  }
0x54: {  	_ =	shalt  }
0x55: {  	_ =	shalt  }
0x56: {  	_ =	shalt  }
0x57: {  	_ =	shalt  }
0x58: {  	_ =	shalt  }
0x59: {  	_ =	shalt  }
0x5a: {  	_ =	shalt  }
0x5b: {  	_ =	shalt  }
0x5c: {  	_ =	shalt  }
0x5d: {  	_ =	shalt  }
0x5e: {  	_ =	shalt  }
0x5f: {  	_ =	shalt  }
0x60: {  	_ =	shalt  }
0x61: {  	_ =	shalt  }
0x62: {  	_ =	shalt  }
0x63: {  	_ =	shalt  }
0x64: {  	_ =	shalt  }
0x65: {  	_ =	shalt  }
0x66: {  	_ =	shalt  }
0x67: {  	_ =	shalt  }
0x68: {  	_ =	shalt  }
0x69: {  	_ =	shalt  }
0x6a: {  	_ =	shalt  }
0x6b: {  	_ =	shalt  }
0x6c: {  	_ =	shalt  }
0x6d: {  	_ =	shalt  }
0x6e: {  	_ =	shalt  }
0x6f: {  	_ =	shalt  }
0x70: {  	_ =	shalt  }
0x71: {  	_ =	shalt  }
0x72: {  	_ =	shalt  }
0x73: {  	_ =	shalt  }
0x74: {  	_ =	shalt  }
0x75: {  	_ =	shalt  }
0x76: {  	_ =	shalt  }
0x77: {  	_ =	shalt  }
0x78: {  	_ =	shalt  }
0x79: {  	_ =	shalt  }
0x7a: {  	_ =	shalt  }
0x7b: {  	_ =	shalt  }
0x7c: {  	_ =	shalt  }
0x7d: {  	_ =	shalt  }
0x7e: {  	_ =	shalt  }
0x7f: {  	_ =	shalt  }
0x80: {  	_ =	shalt  }
0x81: {  	_ =	shalt  }
0x82: {  	_ =	shalt  }
0x83: {  	_ =	shalt  }
0x84: {  	_ =	shalt  }
0x85: {  	_ =	shalt  }
0x86: {  	_ =	shalt  }
0x87: {  	_ =	shalt  }
.Lfunc_end0:
.L_simem_size_0:
called_computation_lowered:
.L_overlay_start_0:
0x88: {  	s2 =	sld [smem:$0x3FD9]  }
0x89: {  	s3 =	sld [smem:$0x3FFE];
	_ =	sdelay $0x1  }
0x8a: {  	s1 =	srdreg.scid  }
0x8b: {  	s0 =	sand.u32 $0x1, s1  }
0x8c: {  	s16 =	sshll.u32 s0, $0xA;
	s2 =	sadd.s32 s3, s2  }
0x8d: {  	s2 =	sadd.s32 s2, s16  }
0x8e: {  	[smem:$0x3FC4] =	sst s2  }
0x8f: {  	_ = 	snop  }
0x90: {  	(tm) =	ssettm $0x1  }
0x91: {  	s17 =	sld [smem:$0x3FFB];
	_ =	sdelay $0x3  }
0x92: {  	_ =	strace s17  }
0x93: {  	s2 =	sld [smem:$0x3FFC];
	_ =	sdelay $0x3  }
0x94: {  	_ =	strace s2  }
0x95: {  	s2 =	sld [smem:$0x3FFD];
	_ =	sdelay $0x3  }
0x96: {  	_ =	strace s2  }
0x97: {  	_ =	strace $0x8FFFFFFF  }
0x98: {  	s18 =	sld [smem:$0x3FDB];
	_ =	sdelay $0x1  }
0x99: {  	s19 =	simm.s32 $_scs_section_size  }
0x9a: {  	s4 =	simm.s32 $_size__tile_overlayer_lowered;
	s5 =	simm.s32 $_tile_overlayer_lowered  }
0x9b: {  	s22 =	simm.s32 $0x1BFF;
	s21 =	sshll.u32 s5, $0x1;
	s2 =	sadd.s32 s19, s18  }
0x9c: {  	s6 =	simm.s32 $0x0;
	s20 =	sshll.u32 s4, $0x1;
	s4 =	sadd.s32 s21, s2  }
0x9d: {  	[timem:s6], [sflag:s22] =	dma.local [hbm:s4], s20  }
0x9e: {  	_ =	swait.ge [sflag:s22], s20  }
0x9f: {  	s3 =	ssub.s32 $0x0, s20;
	[sflag:s22] =	ssyncset.done $0x0  }
0xa0: {  	[sflag:s22] =	ssyncadd.s32 s3;
	_ =	sdelay $0x1  }
0xa1: {  	s23 =	simm.s32 $0x1B8B  }
0xa2: {  	_ =	swait.ge [sflag:s23], $0x1  }
0xa3: {  	[sflag:s23] =	ssyncset.done $0x0  }
0xa4: {  	s25 =	simm.s32 $0x1B8E;
	s24 =	sld [smem:$0x3FFE];
	[sflag:s23] =	ssyncadd.s32 $0xFFFFFFFF  }
0xa5: {  	s26 =	simm.s32 $execute0_lowered;
	[smem:$0x3FD2] =	sst s25  }
0xa6: {  	s4 =	sshll.u32 s26, $0x1;
	_ =	strace $0x80000046;
	[dreg:$0x1] =	wrdreg $0xFFFFFFFF  }
0xa7: {  	s28 =	simm.s32 $_size_execute0_lowered;
	s2 =	sadd.s32 s2, s4;
	[dreg:$0x0] =	wrdreg $0x0  }
0xa8: {  	s4 =	sshll.u32 s28, $0x1;
	[dreg:$0x2] =	wrdreg s2  }
0xa9: {  	[dreg:$0x3] =	wrdreg s4  }
0xaa: {  	[dreg:$0x4] =	wrdreg $0xC0  }
0xab: {  	_ =	task [dreg:s6], $0x5FFFF  }
0xac: {  	[dreg:$0x1] =	wrdreg $0xFFFFFFFF  }
0xad: {  	[dreg:$0x0] =	wrdreg $0x60  }
0xae: {  	[dreg:$0x2] =	wrdreg s24  }
0xaf: {  	[dreg:$0x3] =	wrdreg $0x32000  }
0xb0: {  	[dreg:$0x4] =	wrdreg $0x9  }
0xb1: {  	_ =	task.clear_ibuf [dreg:s6], $0x5FFFF;
	_ =	strace $0x90000046  }
0xb2: {  	s29 =	simm.s32 $0x9;
	_ =	strace $0x80000048  }
0xb3: {  	_ =	swait.ge [sflag:s29], $0x1  }
0xb4: {  	[sflag:s29] =	ssyncadd.s32 $0xFFFFFFFF  }
0xb5: {  	_ =	strace $0x90000048  }
0xb6: {  	_ =	sfence  }
0xb7: {  	s30 =	sld [smem:$0x0];
	_ =	sdelay $0x2  }
0xb8: {  	s31 =	sshll.u32 s1, $0xD;
	s1 =	sshrl.u32 s1, $0x2  }
0xb9: {  	s3 =	sand.u32 $0x4000, s31;
	s1 =	sadd.s32 s1, s30  }
0xba: {  	s0 =	sor.u32 s3, s0;
	s1 =	sshll.u32 s1, $0x11  }
0xbb: {  	s0 =	sor.u32 s1, s0  }
0xbc: {  	s0 =	sadd.s32 $0x8F2B, s0  }
0xbd: {  	[sflag:s0] =	ssyncadd.remote.s32 $0x1  }
0xbe: {  	_ =	sfence.sel $0xFFFF  }
0xbf: {  	[dreg:$0x0] =	wrdreg $0xFFFFFFFF;
	(pc) =	sbr.abs _section_cstart, $3  }
0xc0: {  	[dreg:$0x1] =	wrdreg $0xFFFFFFFF  }
0xc1: {  	_ =	task.clear_ibuf [dreg:s6], $0x2FFFF;
	_ =	strace $0x9FFFFFFF  }
0xc2: {  	(tm) =	ssettm $0x7FFFFFFF  }
0xc3: {  	_ =	shalt  }
tec
execute0_lowered:
.L_overlay_start_1:
0x0: {  	(tag) =	ssettag $0x1  }
0x1: {  	s1 =	srdreg.scid;
	s5 =	rddreg [dreg:$0x0]  }
0x2: {  	s0 =	stileid.u32;
	s2 =	rddreg [dreg:$0x1];
	s3 =	simm.s32 $0x0  }
0x3: {  	s10 =	simm.s32 $0x7D0;
	s11 =	simm.s32 $0x2780;
	s12 =	simm.s32 $0xFA0  }
0x4: {  	s13 =	simm.s32 $0x1770;
	s14 =	simm.s32 $0x1F40;
	s15 =	simm.s32 $0x2  }
0x5: {  	s16 =	simm.s32 $0x3;
	s17 =	simm.s32 $0x4;
	s18 =	simm.s32 $0x5  }
0x6: {  	s21 =	simm.s32 $0x0;
	s4 =	sand.u32 $0x1, s1;
	s1 =	rddreg [dreg:$0x2]  }
0x7: {  	s6 =	smul.u32 $0x280, s0;
	[smem:$0x7FF] =	sst s3;
	s19 =	sshll.u32 s0, $0x6  }
0x8: {  	s7 =	smul.u32 $0x2800, s4;
	s8 =	sshll.u32 s4, $0x4;
	_ =	strace $0x80000047  }
0x9: {  	s4 =	ssub.s32 $0x2, s4;
	s19 =	sor.u32 $0x1C01, s19;
	s8 =	sor.u32 s0, s8  }
0xa: {  	s9 =	sshrl.u32 s4, $0x1;
	s7 =	sadd.s32 s6, s7;
	s8 =	smul.u32 $0x2710, s8  }
0xb: {  	s9 =	ssub.s32 s4, s9;
	s4 =	sadd.s32 s6, s2;
	s7 =	sshrl.u32 s7, $0x3  }
0xc: {  	s20 =	sshrl.u32 s4, $0x3;
	s7 =	sadd.s32 s7, s5;
	s8 =	sshrl.u32 s8, $0x3  }
0xd: {  	s5 =	sadd.s32 s5, s8;
	s6 =	sadd.s32 $0x16600, s7;
	s7 =	smax.u32 s9, $0x1  }
0xe: {  	v0 =	vimm.f32 $0.0e+00;
	v1 =	vimm.f32 $1.000000000e+00;
	s8 =	simm.s32 $0x2F80;
	s9 =	simm.s32 $0x1;
	s5 =	sadd.s32 $0xC840, s5  }
.LBB2_1:
0xf: {  	[tilespmem:$0x2F80] =	vst v0  }
0x10: {  	[tilespmem:$0x2F90] =	vst v0  }
0x11: {  	[tilespmem:$0x2FA0] =	vst v0  }
0x12: {  	[tilespmem:$0x2FB0] =	vst v0  }
0x13: {  	[tilespmem:$0x2FC0] =	vst v0  }
0x14: {  	[tilespmem:$0x2FD0] =	vst v0  }
0x15: {  	[tilespmem:$0x2FE0] =	vst v0  }
0x16: {  	[tilespmem:$0x2FF0] =	vst v0  }
0x17: {  	[tilespmem:$0x3000] =	vst v0  }
0x18: {  	[tilespmem:$0x3010] =	vst v0  }
0x19: {  	[tilespmem:$0x3020] =	vst v0  }
0x1a: {  	[tilespmem:$0x3030] =	vst v0  }
0x1b: {  	[tilespmem:$0x3040] =	vst v0  }
0x1c: {  	[tilespmem:$0x3050] =	vst v0  }
0x1d: {  	[tilespmem:$0x3060] =	vst v0  }
0x1e: {  	[tilespmem:$0x3070] =	vst v0  }
0x1f: {  	[tilespmem:$0x3080] =	vst v0  }
0x20: {  	[tilespmem:$0x3090] =	vst v0  }
0x21: {  	[tilespmem:$0x30A0] =	vst v0  }
0x22: {  	[tilespmem:$0x30B0] =	vst v0  }
0x23: {  	[tilespmem:$0x30C0] =	vst v0  }
0x24: {  	[tilespmem:$0x30D0] =	vst v0  }
0x25: {  	[tilespmem:$0x30E0] =	vst v0  }
0x26: {  	[tilespmem:$0x30F0] =	vst v0  }
0x27: {  	[tilespmem:$0x3100] =	vst v0  }
0x28: {  	[tilespmem:$0x3110] =	vst v0  }
0x29: {  	[tilespmem:$0x3120] =	vst v0  }
0x2a: {  	[tilespmem:$0x3130] =	vst v0  }
0x2b: {  	[tilespmem:$0x3140] =	vst v0  }
0x2c: {  	[tilespmem:$0x3150] =	vst v0  }
0x2d: {  	[tilespmem:$0x3160] =	vst v0  }
0x2e: {  	[tilespmem:$0x3170] =	vst v0  }
0x2f: {  	[tilespmem:$0x3180] =	vst v0  }
0x30: {  	[tilespmem:$0x3190] =	vst v0  }
0x31: {  	[tilespmem:$0x31A0] =	vst v0  }
0x32: {  	[tilespmem:$0x31B0] =	vst v0  }
0x33: {  	[tilespmem:$0x31C0] =	vst v0  }
0x34: {  	[tilespmem:$0x31D0] =	vst v0  }
0x35: {  	[tilespmem:$0x31E0] =	vst v0  }
0x36: {  	[tilespmem:$0x31F0] =	vst v0;
	s22 =	simm.s32 $0x40;
	s23 =	simm.s32 $0x0  }
.LBB2_2:
0x37: {  	p0 =	sne.s32 s22, $0x1F00;
	[tilespmem:s23+$0x2780] =	vst v1;
	s23 =	smov.u32 s22;
	s22 =	sadd.s32 $0x40, s22  }
.Ltmp0:
0x38: {  	(pc) =	sbr.rel @p0 .LBB2_2-.Ltmp0, $2  }
0x39: {  	_ =	sdelay $0x2  }
0x3a: {  	s23 =	sshra.s32 s23, $0x2  }
0x3b: {  	[tilespmem:s23+$0x2780] =	vst v1  }
0x3c: {  	[spmem:s4] =	stream.linear.scatter [tilespmem:s8], [sflag:$0x1], $0x280, $0x38;
	[tilespmem:$0x3480] =	vst v63  }
0x3d: {  	_ =	swait.ge [sflag:s9], $0x280  }
0x3e: {  	[sflag:s9] =	ssyncset.done $0x0  }
0x3f: {  	[sflag:s9] =	ssyncadd.s32 $0xFFFFFD80  }
0x40: {  	[tilespmem:s3], [sflag:$0x1] =	stream.linear.gather [hbm4b:s5+s3], $0x2710, $0x38;
	[tilespmem:$0x3480] =	vst v63  }
0x41: {  	_ =	swait.ge [sflag:s9], $0x2710  }
0x42: {  	[sflag:s9] =	ssyncset.done $0x0  }
0x43: {  	[sflag:s9] =	ssyncadd.s32 $0xFFFFD8F0  }
0x44: {  	[bflag:$0x0] =	sbarrier.arrive $0xFFFF  }
0x45: {  	[spmem:s2] =	stream.indirect.scatter.add.f32 [tilespmem:s11], [sflag:$0x1], $0x1, s3, s10, $0xb8;
	[tilespmem:$0x3480] =	vst v63  }
0x46: {  	_ = 	snop  }
0x47: {  	[spmem:s2] =	stream.indirect.scatter.add.f32 [tilespmem:s11], [sflag:$0x2], $0x1, s10, s10, $0xb8;
	[tilespmem:$0x3480] =	vst v63  }
0x48: {  	_ = 	snop  }
0x49: {  	[spmem:s2] =	stream.indirect.scatter.add.f32 [tilespmem:s11], [sflag:$0x3], $0x1, s12, s10, $0xb8;
	[tilespmem:$0x3480] =	vst v63  }
0x4a: {  	_ = 	snop  }
0x4b: {  	[spmem:s2] =	stream.indirect.scatter.add.f32 [tilespmem:s11], [sflag:$0x4], $0x1, s13, s10, $0xb8;
	[tilespmem:$0x3480] =	vst v63  }
0x4c: {  	_ = 	snop  }
0x4d: {  	[spmem:s2] =	stream.indirect.scatter.add.f32 [tilespmem:s11], [sflag:$0x5], $0x1, s14, s10, $0xb8;
	[tilespmem:$0x3480] =	vst v63  }
0x4e: {  	_ =	swait.ge [sflag:s9], $0x7D0  }
0x4f: {  	[sflag:s9] =	ssyncset.done $0x0  }
0x50: {  	[sflag:s9] =	ssyncadd.s32 $0xFFFFF830  }
0x51: {  	_ =	swait.ge [sflag:s15], $0x7D0  }
0x52: {  	[sflag:s15] =	ssyncset.done $0x0  }
0x53: {  	[sflag:s15] =	ssyncadd.s32 $0xFFFFF830  }
0x54: {  	_ =	swait.ge [sflag:s16], $0x7D0  }
0x55: {  	[sflag:s16] =	ssyncset.done $0x0  }
0x56: {  	[sflag:s16] =	ssyncadd.s32 $0xFFFFF830  }
0x57: {  	_ =	swait.ge [sflag:s17], $0x7D0  }
0x58: {  	[sflag:s17] =	ssyncset.done $0x0  }
0x59: {  	[sflag:s17] =	ssyncadd.s32 $0xFFFFF830  }
0x5a: {  	_ =	swait.ge [sflag:s18], $0x7D0  }
0x5b: {  	s21 =	sadd.s32 $0x1, s21;
	[sflag:s18] =	ssyncset.done $0x0  }
0x5c: {  	p0 =	sne.s32 s21, s7;
	[sflag:s18] =	ssyncadd.s32 $0xFFFFF830  }
.Ltmp1:
0x5d: {  	[bflag:$0x0] =	sbarrier.arrive $0xFFFF;
	(pc) =	sbr.rel @p0 .LBB2_1-.Ltmp1, $4  }
0x5e: {  	[hbm:s6], [sflag:s19] =	dma.local [spmem:s20], $0x50  }
0x5f: {  	_ =	swait.ge [sflag:s9], $0x50  }
0x60: {  	[sflag:s9] =	ssyncset.done $0x0  }
0x61: {  	[sflag:s9] =	ssyncadd.s32 $0xFFFFFFB0  }
0x62: {  	_ =	sfence.sel $0x180000  }
0x63: {  	[bflag:$0x0] =	sbarrier.arrive $0xFFFF  }
0x64: {  	p0 =	sne.s32 s0, $0x0;
	_ =	strace $0x90000047  }
0x65: {  	s0 =	sadd.s32 @!p0 $0x100000, s1;
	[bflag:$0x2] =	sbarrier.arrive $0xFFFF  }
0x66: {  	[sflag:s0] =	ssyncadd.tile.s32 @!p0 $0x1;
	_ =	shalt  }
.Lfunc_end2:
_tile_overlayer_lowered:
.L_overlay_start_2:
0x67: {  	(tag) =	ssettag $0x2  }
0x68: {  	s0 =	rddreg [dreg:$0x0];
	s2 =	stileid.u32  }
0x69: {  	s1 =	rddreg [dreg:$0x1];
	p0 =	sne.s32 s2, $0x0  }
0x6a: {  	s3 =	rddreg [dreg:$0x2];
	[bflag:$0x3] =	sbarrier.arrive $0xFFFF;
	s2 =	simm.s32 @!p0 $0x1C01  }
0x6b: {  	[timem:s3], [sflag:s2] =	dma.local @!p0 [hbm:s0], s1  }
0x6c: {  	s0 =	simm.s32 @!p0 $0x1  }
0x6d: {  	_ =	swait.ge @!p0 [sflag:s0], s1  }
0x6e: {  	s1 =	ssub.s32 @!p0 $0x0, s1;
	[sflag:s0] =	ssyncset.done @!p0 $0x0  }
0x6f: {  	[sflag:s0] =	ssyncadd.s32 @!p0 s1  }
0x70: {  	[bflag:$0x3] =	sbarrier.arrive $0xFFFF  }
0x71: {  	_ =	shalt  }

</sc_bundles>
